<compile_context>
chip_gen: v7x
topology: tpu7x:2x2x1
jax: 0.10.2.dev20260603
libtpu: 0.0.44.dev20260713+nightly
codegen_flags: <defaults>
</compile_context>

<pallas_src>
import functools

import jax
import jax.numpy as jnp
from jax import lax
from jax.experimental import pallas as pl
from jax.experimental.pallas import tpu as pltpu
from jax.experimental.pallas import tpu_sc as plsc

D = 768
NC, NS = 2, 16
NW = NC * NS


def _make_sc_gather(tokens):
    per_w = tokens // NW
    g = 32
    nb = 4
    nch = per_w // g

    mesh = plsc.VectorSubcoreMesh(core_axis_name="c", subcore_axis_name="s")

    @functools.partial(
        pl.kernel,
        mesh=mesh,
        out_type=jax.ShapeDtypeStruct((tokens, D), jnp.float32),
        scratch_types=[
            pltpu.VMEM((per_w,), jnp.int32),
            pltpu.VMEM((nb, g, D), jnp.float32),
            pltpu.SemaphoreType.DMA((nb,)),
            pltpu.SemaphoreType.DMA((nb,)),
        ],
    )
    def sc_gather(ids_hbm, table, out_hbm, idx_v, x_v, in_sem, out_sem):
        wid = lax.axis_index("s") * NC + lax.axis_index("c")
        w0 = wid * per_w
        pltpu.sync_copy(ids_hbm.at[pl.ds(w0, per_w)], idx_v)

        def gather(i, p):
            pltpu.async_copy(table.at[idx_v.at[pl.ds(i * g, g)]],
                             x_v.at[p], in_sem.at[p])

        for p in range(nb):
            gather(p, p)
        for i in range(nch):
            p = i % nb
            pltpu.make_async_copy(table.at[pl.ds(0, g)], x_v.at[p],
                                  in_sem.at[p]).wait()
            pltpu.async_copy(x_v.at[p], out_hbm.at[pl.ds(w0 + i * g, g)],
                             out_sem.at[p])
            if i + nb < nch:
                pltpu.make_async_copy(x_v.at[p], out_hbm.at[pl.ds(0, g)],
                                      out_sem.at[p]).wait()
                gather(i + nb, p)
        for i in range(nch - nb, nch):
            p = i % nb
            pltpu.make_async_copy(x_v.at[p], out_hbm.at[pl.ds(0, g)],
                                  out_sem.at[p]).wait()

    return sc_gather


def _tc_ln_body(tok_ref, pos_ref, ttf_ref, seg_ref, g_ref, b_ref, o_ref):
    seg0 = seg_ref[0:1, :]
    segd = seg_ref[1:2, :] - seg0
    x = tok_ref[...] + pos_ref[...] + (seg0 + ttf_ref[...] * segd)
    mean = jnp.mean(x, axis=1, keepdims=True)
    xc = x - mean
    var = jnp.mean(xc * xc, axis=1, keepdims=True)
    inv = lax.rsqrt(var + 1e-12)
    o_ref[...] = xc * inv * g_ref[...] + b_ref[...]


def _tc_layernorm(tok_rows, pos_table, ttf, seg_table, gamma, beta):
    tokens = tok_rows.shape[0]
    max_seq = pos_table.shape[0]
    blk = 2048
    pos_per = max_seq // blk
    batch = tokens // max_seq
    return pl.pallas_call(
        _tc_ln_body,
        grid=(pos_per, batch),
        in_specs=[
            pl.BlockSpec((blk, D), lambda j, b: (b * pos_per + j, 0)),
            pl.BlockSpec((blk, D), lambda j, b: (j, 0)),
            pl.BlockSpec((blk, 1), lambda j, b: (b * pos_per + j, 0)),
            pl.BlockSpec((2, D), lambda j, b: (0, 0)),
            pl.BlockSpec((1, D), lambda j, b: (0, 0)),
            pl.BlockSpec((1, D), lambda j, b: (0, 0)),
        ],
        out_specs=pl.BlockSpec((blk, D), lambda j, b: (b * pos_per + j, 0)),
        out_shape=jax.ShapeDtypeStruct((tokens, D), jnp.float32),
        compiler_params=pltpu.CompilerParams(
            dimension_semantics=("parallel", "parallel")),
    )(tok_rows, pos_table, ttf, seg_table, gamma, beta)


def kernel(input_ids, token_type_ids, token_table, pos_table, seg_table,
           gamma, beta):
    batch, max_seq = input_ids.shape
    tokens = batch * max_seq
    ids = input_ids.reshape(tokens).astype(jnp.int32)
    ttf = token_type_ids.reshape(tokens, 1).astype(jnp.float32)
    tok_rows = _make_sc_gather(tokens)(ids, token_table)
    out = _tc_layernorm(tok_rows, pos_table, ttf, seg_table,
                        gamma.reshape(1, D), beta.reshape(1, D))
    return out.reshape(batch, max_seq, D)

# --- scband reference (transcript-rebuilt; emitter-appended) ---
"""Pipeline reference for scband-bert-embedding-44762149159139 (READ-ONLY COPY).

The authoritative reference and input builder live on the scoring server;
editing this copy changes nothing except your own understanding.
"""

import jax, jax.numpy as jnp
import numpy as np

VOCAB = 100000
MAX_SEQ = 2048
D_MODEL = 768
TYPE_VOCAB = 2
BATCH = 4


def setup_inputs(seed: int = 0) -> dict:
    key = jax.random.key(seed)
    k1, k2, k3, k4, k5 = jax.random.split(key, 5)
    input_ids = jax.random.randint(k1, (BATCH, MAX_SEQ), 0, VOCAB, dtype=jnp.int64 if jax.config.jax_enable_x64 else jnp.int32)
    token_type_ids = jax.random.randint(k2, (BATCH, MAX_SEQ), 0, TYPE_VOCAB, dtype=jnp.int64 if jax.config.jax_enable_x64 else jnp.int32)
    token_table = jax.random.normal(k3, (VOCAB, D_MODEL), dtype=jnp.float32) * 0.02
    pos_table = jax.random.normal(k4, (MAX_SEQ, D_MODEL), dtype=jnp.float32) * 0.02
    seg_table = jax.random.normal(k5, (TYPE_VOCAB, D_MODEL), dtype=jnp.float32) * 0.02
    gamma = jnp.ones((D_MODEL,), dtype=jnp.float32)
    beta = jnp.zeros((D_MODEL,), dtype=jnp.float32)
    return {
        "input_ids": input_ids,
        "token_type_ids": token_type_ids,
        "token_table": token_table,
        "pos_table": pos_table,
        "seg_table": seg_table,
        "gamma": gamma,
        "beta": beta,
    }


def _layer_norm(x, gamma, beta, eps=1e-12):
    mean = jnp.mean(x, axis=-1, keepdims=True)
    var = jnp.var(x, axis=-1, keepdims=True)
    xn = (x - mean) / jnp.sqrt(var + eps)
    return xn * gamma + beta


def reference(input_ids, token_type_ids, token_table, pos_table, seg_table, gamma, beta):
    batch = input_ids.shape[0]
    position_ids = jnp.arange(MAX_SEQ, dtype=jnp.int32)
    position_ids = jnp.tile(position_ids[None, :], (batch, 1))
    token_embed = jnp.take(token_table, input_ids, axis=0)
    position_embed = jnp.take(pos_table, position_ids, axis=0)
    segment_embed = jnp.take(seg_table, token_type_ids, axis=0)
    embeddings = token_embed + position_embed + segment_embed
    embeddings = _layer_norm(embeddings, gamma, beta, eps=1e-12)
    # dropout is identity in inference mode
    return embeddings

if __name__ == "__main__":
    import jax
    _d = setup_inputs()
    print(jax.jit(kernel)(*tuple(_d.values())))

</pallas_src>

<mosaic_0001>
#map = affine_map<(d0, d1) -> (0)>
#map1 = affine_map<(d0, d1) -> (0, 0)>
module attributes {stable_mosaic.version = 14 : i64} {
  func.func @sc_gather(%arg0: i32, %arg1: i32, %arg2: memref<8192xi32, #tpu.memory_space<hbm>>, %arg3: memref<100000x768xf32, #tpu.memory_space<hbm>>, %arg4: memref<8192x768xf32, #tpu.memory_space<hbm>>, %arg5: memref<256xi32, #tpu.memory_space<vmem>>, %arg6: memref<4x32x768xf32, #tpu.memory_space<vmem>>, %arg7: memref<4x!tpu.dma_semaphore, #tpu.memory_space<semaphore_mem>>, %arg8: memref<4x!tpu.dma_semaphore, #tpu.memory_space<semaphore_mem>>) attributes {dimension_semantics = [#tpu.dimension_semantics<core_parallel>, #tpu.dimension_semantics<subcore_parallel>], iteration_bounds = array<i64: 2, 16>, scalar_prefetch = 0 : i64, scratch_operands = 4 : i64, tpu.core_type = #tpu.core_type<sc_vector_subcore>, window_params = [{transform_indices = #map}, {transform_indices = #map1}, {transform_indices = #map1}]} {
    %mul3A = arith.constant 2 : i32
    %mul3A_0 = arith.muli %arg1, %mul3A : i32
    %add3A = arith.addi %mul3A_0, %arg0 : i32
    %mul3A_1 = arith.constant 256 : i32
    %mul3A_2 = arith.muli %add3A, %mul3A_1 : i32
    "tpu.region"() ({
      %run_scoped3A = tpu.sem_alloc : memref<!tpu.dma_semaphore, #tpu.memory_space<semaphore_mem>>
      %dma_start3A_537 = tpu.memref_slice %arg2[%mul3A_2] : memref<8192xi32, #tpu.memory_space<hbm>> -> memref<256xi32, #tpu.memory_space<hbm>>
      %dma_start3A_538 = tpu.memref_slice %arg2[%mul3A_2] : memref<8192xi32, #tpu.memory_space<hbm>> -> memref<256xi32, #tpu.memory_space<hbm>>
      tpu.enqueue_dma source(%dma_start3A_538 : memref<256xi32, #tpu.memory_space<hbm>>) target(%arg5 : memref<256xi32, #tpu.memory_space<vmem>>) target_semaphore(%run_scoped3A : memref<!tpu.dma_semaphore, #tpu.memory_space<semaphore_mem>>)
      %dma_wait3A_539 = tpu.memref_slice %arg2[%mul3A_2] : memref<8192xi32, #tpu.memory_space<hbm>> -> memref<256xi32, #tpu.memory_space<hbm>>
      %dma_wait3A_540 = tpu.memref_slice %arg2[%mul3A_2] : memref<8192xi32, #tpu.memory_space<hbm>> -> memref<256xi32, #tpu.memory_space<hbm>>
      tpu.wait_dma2 semaphore(%run_scoped3A : memref<!tpu.dma_semaphore, #tpu.memory_space<semaphore_mem>>) src(%dma_wait3A_540 : memref<256xi32, #tpu.memory_space<hbm>>) dst(%arg5 : memref<256xi32, #tpu.memory_space<vmem>>)
      tpu.yield
    }) : () -> ()
    %dma_start3A = arith.constant 0 : i32
    %dma_start3A_3 = arith.constant 0 : i32
    %dma_start3A_4 = arith.constant 0 : i32
    %dma_start3A_5 = arith.constant 0 : i32
    %dma_start3A_6 = tpu.memref_slice %arg6[%dma_start3A, %dma_start3A_4, %dma_start3A_5] : memref<4x32x768xf32, #tpu.memory_space<vmem>> -> memref<1x32x768xf32, #tpu.memory_space<vmem>>
    %dma_start3A_7 = tpu.memref_squeeze %dma_start3A_6 : memref<1x32x768xf32, #tpu.memory_space<vmem>> -> memref<32x768xf32, #tpu.memory_space<vmem>>
    %dma_start3A_8 = arith.constant 0 : i32
    %dma_start3A_9 = tpu.memref_slice %arg5[%dma_start3A_8] : memref<256xi32, #tpu.memory_space<vmem>> -> memref<32xi32, #tpu.memory_space<vmem>>
    %dma_start3A_10 = arith.constant 0 : i32
    %dma_start3A_11 = arith.constant 0 : i32
    %dma_start3A_12 = tpu.memref_slice %arg3[%dma_start3A_10, %dma_start3A_11] : memref<100000x768xf32, #tpu.memory_space<hbm>> -> memref<100000x768xf32, #tpu.memory_space<hbm>>
    %dma_start3A_13 = tpu.memref_slice %arg7[%dma_start3A_3] : memref<4x!tpu.dma_semaphore, #tpu.memory_space<semaphore_mem>> -> memref<1x!tpu.dma_semaphore, #tpu.memory_space<semaphore_mem>>
    %dma_start3A_14 = tpu.memref_squeeze %dma_start3A_13 : memref<1x!tpu.dma_semaphore, #tpu.memory_space<semaphore_mem>> -> memref<!tpu.dma_semaphore, #tpu.memory_space<semaphore_mem>>
    tpu.enqueue_indirect_dma source(%dma_start3A_12 : memref<100000x768xf32, #tpu.memory_space<hbm>>) target(%dma_start3A_7 : memref<32x768xf32, #tpu.memory_space<vmem>>) offsets(%dma_start3A_9 : memref<32xi32, #tpu.memory_space<vmem>>) semaphore(%dma_start3A_14 : memref<!tpu.dma_semaphore, #tpu.memory_space<semaphore_mem>>)
    %dma_start3A_15 = arith.constant 1 : i32
    %dma_start3A_16 = arith.constant 1 : i32
    %dma_start3A_17 = arith.constant 0 : i32
    %dma_start3A_18 = arith.constant 0 : i32
    %dma_start3A_19 = tpu.memref_slice %arg6[%dma_start3A_15, %dma_start3A_17, %dma_start3A_18] : memref<4x32x768xf32, #tpu.memory_space<vmem>> -> memref<1x32x768xf32, #tpu.memory_space<vmem>>
    %dma_start3A_20 = tpu.memref_squeeze %dma_start3A_19 : memref<1x32x768xf32, #tpu.memory_space<vmem>> -> memref<32x768xf32, #tpu.memory_space<vmem>>
    %dma_start3A_21 = arith.constant 32 : i32
    %dma_start3A_22 = tpu.memref_slice %arg5[%dma_start3A_21] : memref<256xi32, #tpu.memory_space<vmem>> -> memref<32xi32, #tpu.memory_space<vmem>>
    %dma_start3A_23 = arith.constant 0 : i32
    %dma_start3A_24 = arith.constant 0 : i32
    %dma_start3A_25 = tpu.memref_slice %arg3[%dma_start3A_23, %dma_start3A_24] : memref<100000x768xf32, #tpu.memory_space<hbm>> -> memref<100000x768xf32, #tpu.memory_space<hbm>>
    %dma_start3A_26 = tpu.memref_slice %arg7[%dma_start3A_16] : memref<4x!tpu.dma_semaphore, #tpu.memory_space<semaphore_mem>> -> memref<1x!tpu.dma_semaphore, #tpu.memory_space<semaphore_mem>>
    %dma_start3A_27 = tpu.memref_squeeze %dma_start3A_26 : memref<1x!tpu.dma_semaphore, #tpu.memory_space<semaphore_mem>> -> memref<!tpu.dma_semaphore, #tpu.memory_space<semaphore_mem>>
    tpu.enqueue_indirect_dma source(%dma_start3A_25 : memref<100000x768xf32, #tpu.memory_space<hbm>>) target(%dma_start3A_20 : memref<32x768xf32, #tpu.memory_space<vmem>>) offsets(%dma_start3A_22 : memref<32xi32, #tpu.memory_space<vmem>>) semaphore(%dma_start3A_27 : memref<!tpu.dma_semaphore, #tpu.memory_space<semaphore_mem>>)
    %dma_start3A_28 = arith.constant 2 : i32
    %dma_start3A_29 = arith.constant 2 : i32
    %dma_start3A_30 = arith.constant 0 : i32
    %dma_start3A_31 = arith.constant 0 : i32
    %dma_start3A_32 = tpu.memref_slice %arg6[%dma_start3A_28, %dma_start3A_30, %dma_start3A_31] : memref<4x32x768xf32, #tpu.memory_space<vmem>> -> memref<1x32x768xf32, #tpu.memory_space<vmem>>
    %dma_start3A_33 = tpu.memref_squeeze %dma_start3A_32 : memref<1x32x768xf32, #tpu.memory_space<vmem>> -> memref<32x768xf32, #tpu.memory_space<vmem>>
    %dma_start3A_34 = arith.constant 64 : i32
    %dma_start3A_35 = tpu.memref_slice %arg5[%dma_start3A_34] : memref<256xi32, #tpu.memory_space<vmem>> -> memref<32xi32, #tpu.memory_space<vmem>>
    %dma_start3A_36 = arith.constant 0 : i32
    %dma_start3A_37 = arith.constant 0 : i32
    %dma_start3A_38 = tpu.memref_slice %arg3[%dma_start3A_36, %dma_start3A_37] : memref<100000x768xf32, #tpu.memory_space<hbm>> -> memref<100000x768xf32, #tpu.memory_space<hbm>>
    %dma_start3A_39 = tpu.memref_slice %arg7[%dma_start3A_29] : memref<4x!tpu.dma_semaphore, #tpu.memory_space<semaphore_mem>> -> memref<1x!tpu.dma_semaphore, #tpu.memory_space<semaphore_mem>>
    %dma_start3A_40 = tpu.memref_squeeze %dma_start3A_39 : memref<1x!tpu.dma_semaphore, #tpu.memory_space<semaphore_mem>> -> memref<!tpu.dma_semaphore, #tpu.memory_space<semaphore_mem>>
    tpu.enqueue_indirect_dma source(%dma_start3A_38 : memref<100000x768xf32, #tpu.memory_space<hbm>>) target(%dma_start3A_33 : memref<32x768xf32, #tpu.memory_space<vmem>>) offsets(%dma_start3A_35 : memref<32xi32, #tpu.memory_space<vmem>>) semaphore(%dma_start3A_40 : memref<!tpu.dma_semaphore, #tpu.memory_space<semaphore_mem>>)
    %dma_start3A_41 = arith.constant 3 : i32
    %dma_start3A_42 = arith.constant 3 : i32
    %dma_start3A_43 = arith.constant 0 : i32
    %dma_start3A_44 = arith.constant 0 : i32
    %dma_start3A_45 = tpu.memref_slice %arg6[%dma_start3A_41, %dma_start3A_43, %dma_start3A_44] : memref<4x32x768xf32, #tpu.memory_space<vmem>> -> memref<1x32x768xf32, #tpu.memory_space<vmem>>
    %dma_start3A_46 = tpu.memref_squeeze %dma_start3A_45 : memref<1x32x768xf32, #tpu.memory_space<vmem>> -> memref<32x768xf32, #tpu.memory_space<vmem>>
    %dma_start3A_47 = arith.constant 96 : i32
    %dma_start3A_48 = tpu.memref_slice %arg5[%dma_start3A_47] : memref<256xi32, #tpu.memory_space<vmem>> -> memref<32xi32, #tpu.memory_space<vmem>>
    %dma_start3A_49 = arith.constant 0 : i32
    %dma_start3A_50 = arith.constant 0 : i32
    %dma_start3A_51 = tpu.memref_slice %arg3[%dma_start3A_49, %dma_start3A_50] : memref<100000x768xf32, #tpu.memory_space<hbm>> -> memref<100000x768xf32, #tpu.memory_space<hbm>>
    %dma_start3A_52 = tpu.memref_slice %arg7[%dma_start3A_42] : memref<4x!tpu.dma_semaphore, #tpu.memory_space<semaphore_mem>> -> memref<1x!tpu.dma_semaphore, #tpu.memory_space<semaphore_mem>>
    %dma_start3A_53 = tpu.memref_squeeze %dma_start3A_52 : memref<1x!tpu.dma_semaphore, #tpu.memory_space<semaphore_mem>> -> memref<!tpu.dma_semaphore, #tpu.memory_space<semaphore_mem>>
    tpu.enqueue_indirect_dma source(%dma_start3A_51 : memref<100000x768xf32, #tpu.memory_space<hbm>>) target(%dma_start3A_46 : memref<32x768xf32, #tpu.memory_space<vmem>>) offsets(%dma_start3A_48 : memref<32xi32, #tpu.memory_space<vmem>>) semaphore(%dma_start3A_53 : memref<!tpu.dma_semaphore, #tpu.memory_space<semaphore_mem>>)
    %dma_wait3A = arith.constant 0 : i32
    %dma_wait3A_54 = arith.constant 0 : i32
    %dma_wait3A_55 = arith.constant 0 : i32
    %dma_wait3A_56 = arith.constant 0 : i32
    %dma_wait3A_57 = tpu.memref_slice %arg6[%dma_wait3A, %dma_wait3A_55, %dma_wait3A_56] : memref<4x32x768xf32, #tpu.memory_space<vmem>> -> memref<1x32x768xf32, #tpu.memory_space<vmem>>
    %dma_wait3A_58 = tpu.memref_squeeze %dma_wait3A_57 : memref<1x32x768xf32, #tpu.memory_space<vmem>> -> memref<32x768xf32, #tpu.memory_space<vmem>>
    %dma_wait3A_59 = arith.constant 0 : i32
    %dma_wait3A_60 = arith.constant 0 : i32
    %dma_wait3A_61 = tpu.memref_slice %arg3[%dma_wait3A_59, %dma_wait3A_60] : memref<100000x768xf32, #tpu.memory_space<hbm>> -> memref<32x768xf32, #tpu.memory_space<hbm>>
    %dma_wait3A_62 = tpu.memref_slice %arg7[%dma_wait3A_54] : memref<4x!tpu.dma_semaphore, #tpu.memory_space<semaphore_mem>> -> memref<1x!tpu.dma_semaphore, #tpu.memory_space<semaphore_mem>>
    %dma_wait3A_63 = tpu.memref_squeeze %dma_wait3A_62 : memref<1x!tpu.dma_semaphore, #tpu.memory_space<semaphore_mem>> -> memref<!tpu.dma_semaphore, #tpu.memory_space<semaphore_mem>>
    %dma_wait3A_64 = arith.constant 0 : i32
    %dma_wait3A_65 = arith.constant 0 : i32
    %dma_wait3A_66 = tpu.memref_slice %arg6[%dma_wait3A, %dma_wait3A_64, %dma_wait3A_65] : memref<4x32x768xf32, #tpu.memory_space<vmem>> -> memref<1x32x768xf32, #tpu.memory_space<vmem>>
    %dma_wait3A_67 = tpu.memref_squeeze %dma_wait3A_66 : memref<1x32x768xf32, #tpu.memory_space<vmem>> -> memref<32x768xf32, #tpu.memory_space<vmem>>
    %dma_wait3A_68 = arith.constant 0 : i32
    %dma_wait3A_69 = arith.constant 0 : i32
    %dma_wait3A_70 = tpu.memref_slice %arg3[%dma_wait3A_68, %dma_wait3A_69] : memref<100000x768xf32, #tpu.memory_space<hbm>> -> memref<32x768xf32, #tpu.memory_space<hbm>>
    tpu.wait_dma2 semaphore(%dma_wait3A_63 : memref<!tpu.dma_semaphore, #tpu.memory_space<semaphore_mem>>) src(%dma_wait3A_70 : memref<32x768xf32, #tpu.memory_space<hbm>>) dst(%dma_wait3A_67 : memref<32x768xf32, #tpu.memory_space<vmem>>)
    %add3A_71 = arith.constant 0 : i32
    %add3A_72 = arith.addi %mul3A_2, %add3A_71 : i32
    %dma_start3A_73 = arith.constant 0 : i32
    %dma_start3A_74 = arith.constant 0 : i32
    %dma_start3A_75 = arith.constant 0 : i32
    %dma_start3A_76 = arith.constant 0 : i32
    %dma_start3A_77 = tpu.memref_slice %arg6[%dma_start3A_73, %dma_start3A_75, %dma_start3A_76] : memref<4x32x768xf32, #tpu.memory_space<vmem>> -> memref<1x32x768xf32, #tpu.memory_space<vmem>>
    %dma_start3A_78 = tpu.memref_squeeze %dma_start3A_77 : memref<1x32x768xf32, #tpu.memory_space<vmem>> -> memref<32x768xf32, #tpu.memory_space<vmem>>
    %dma_start3A_79 = arith.constant 0 : i32
    %dma_start3A_80 = tpu.memref_slice %arg4[%add3A_72, %dma_start3A_79] : memref<8192x768xf32, #tpu.memory_space<hbm>> -> memref<32x768xf32, #tpu.memory_space<hbm>>
    %dma_start3A_81 = tpu.memref_slice %arg8[%dma_start3A_74] : memref<4x!tpu.dma_semaphore, #tpu.memory_space<semaphore_mem>> -> memref<1x!tpu.dma_semaphore, #tpu.memory_space<semaphore_mem>>
    %dma_start3A_82 = tpu.memref_squeeze %dma_start3A_81 : memref<1x!tpu.dma_semaphore, #tpu.memory_space<semaphore_mem>> -> memref<!tpu.dma_semaphore, #tpu.memory_space<semaphore_mem>>
    %dma_start3A_83 = arith.constant 0 : i32
    %dma_start3A_84 = tpu.memref_slice %arg4[%add3A_72, %dma_start3A_83] : memref<8192x768xf32, #tpu.memory_space<hbm>> -> memref<32x768xf32, #tpu.memory_space<hbm>>
    %dma_start3A_85 = arith.constant 0 : i32
    %dma_start3A_86 = arith.constant 0 : i32
    %dma_start3A_87 = tpu.memref_slice %arg6[%dma_start3A_73, %dma_start3A_85, %dma_start3A_86] : memref<4x32x768xf32, #tpu.memory_space<vmem>> -> memref<1x32x768xf32, #tpu.memory_space<vmem>>
    %dma_start3A_88 = tpu.memref_squeeze %dma_start3A_87 : memref<1x32x768xf32, #tpu.memory_space<vmem>> -> memref<32x768xf32, #tpu.memory_space<vmem>>
    tpu.enqueue_dma source(%dma_start3A_88 : memref<32x768xf32, #tpu.memory_space<vmem>>) target(%dma_start3A_84 : memref<32x768xf32, #tpu.memory_space<hbm>>) target_semaphore(%dma_start3A_82 : memref<!tpu.dma_semaphore, #tpu.memory_space<semaphore_mem>>)
    %dma_wait3A_89 = arith.constant 0 : i32
    %dma_wait3A_90 = arith.constant 0 : i32
    %dma_wait3A_91 = arith.constant 0 : i32
    %dma_wait3A_92 = arith.constant 0 : i32
    %dma_wait3A_93 = tpu.memref_slice %arg6[%dma_wait3A_89, %dma_wait3A_91, %dma_wait3A_92] : memref<4x32x768xf32, #tpu.memory_space<vmem>> -> memref<1x32x768xf32, #tpu.memory_space<vmem>>
    %dma_wait3A_94 = tpu.memref_squeeze %dma_wait3A_93 : memref<1x32x768xf32, #tpu.memory_space<vmem>> -> memref<32x768xf32, #tpu.memory_space<vmem>>
    %dma_wait3A_95 = arith.constant 0 : i32
    %dma_wait3A_96 = arith.constant 0 : i32
    %dma_wait3A_97 = tpu.memref_slice %arg4[%dma_wait3A_95, %dma_wait3A_96] : memref<8192x768xf32, #tpu.memory_space<hbm>> -> memref<32x768xf32, #tpu.memory_space<hbm>>
    %dma_wait3A_98 = tpu.memref_slice %arg8[%dma_wait3A_90] : memref<4x!tpu.dma_semaphore, #tpu.memory_space<semaphore_mem>> -> memref<1x!tpu.dma_semaphore, #tpu.memory_space<semaphore_mem>>
    %dma_wait3A_99 = tpu.memref_squeeze %dma_wait3A_98 : memref<1x!tpu.dma_semaphore, #tpu.memory_space<semaphore_mem>> -> memref<!tpu.dma_semaphore, #tpu.memory_space<semaphore_mem>>
    %dma_wait3A_100 = arith.constant 0 : i32
    %dma_wait3A_101 = arith.constant 0 : i32
    %dma_wait3A_102 = tpu.memref_slice %arg4[%dma_wait3A_100, %dma_wait3A_101] : memref<8192x768xf32, #tpu.memory_space<hbm>> -> memref<32x768xf32, #tpu.memory_space<hbm>>
    %dma_wait3A_103 = arith.constant 0 : i32
    %dma_wait3A_104 = arith.constant 0 : i32
    %dma_wait3A_105 = tpu.memref_slice %arg6[%dma_wait3A_89, %dma_wait3A_103, %dma_wait3A_104] : memref<4x32x768xf32, #tpu.memory_space<vmem>> -> memref<1x32x768xf32, #tpu.memory_space<vmem>>
    %dma_wait3A_106 = tpu.memref_squeeze %dma_wait3A_105 : memref<1x32x768xf32, #tpu.memory_space<vmem>> -> memref<32x768xf32, #tpu.memory_space<vmem>>
    tpu.wait_dma2 semaphore(%dma_wait3A_99 : memref<!tpu.dma_semaphore, #tpu.memory_space<semaphore_mem>>) src(%dma_wait3A_106 : memref<32x768xf32, #tpu.memory_space<vmem>>) dst(%dma_wait3A_102 : memref<32x768xf32, #tpu.memory_space<hbm>>)
    %dma_start3A_107 = arith.constant 0 : i32
    %dma_start3A_108 = arith.constant 0 : i32
    %dma_start3A_109 = arith.constant 0 : i32
    %dma_start3A_110 = arith.constant 0 : i32
    %dma_start3A_111 = tpu.memref_slice %arg6[%dma_start3A_107, %dma_start3A_109, %dma_start3A_110] : memref<4x32x768xf32, #tpu.memory_space<vmem>> -> memref<1x32x768xf32, #tpu.memory_space<vmem>>
    %dma_start3A_112 = tpu.memref_squeeze %dma_start3A_111 : memref<1x32x768xf32, #tpu.memory_space<vmem>> -> memref<32x768xf32, #tpu.memory_space<vmem>>
    %dma_start3A_113 = arith.constant 128 : i32
    %dma_start3A_114 = tpu.memref_slice %arg5[%dma_start3A_113] : memref<256xi32, #tpu.memory_space<vmem>> -> memref<32xi32, #tpu.memory_space<vmem>>
    %dma_start3A_115 = arith.constant 0 : i32
    %dma_start3A_116 = arith.constant 0 : i32
    %dma_start3A_117 = tpu.memref_slice %arg3[%dma_start3A_115, %dma_start3A_116] : memref<100000x768xf32, #tpu.memory_space<hbm>> -> memref<100000x768xf32, #tpu.memory_space<hbm>>
    %dma_start3A_118 = tpu.memref_slice %arg7[%dma_start3A_108] : memref<4x!tpu.dma_semaphore, #tpu.memory_space<semaphore_mem>> -> memref<1x!tpu.dma_semaphore, #tpu.memory_space<semaphore_mem>>
    %dma_start3A_119 = tpu.memref_squeeze %dma_start3A_118 : memref<1x!tpu.dma_semaphore, #tpu.memory_space<semaphore_mem>> -> memref<!tpu.dma_semaphore, #tpu.memory_space<semaphore_mem>>
    tpu.enqueue_indirect_dma source(%dma_start3A_117 : memref<100000x768xf32, #tpu.memory_space<hbm>>) target(%dma_start3A_112 : memref<32x768xf32, #tpu.memory_space<vmem>>) offsets(%dma_start3A_114 : memref<32xi32, #tpu.memory_space<vmem>>) semaphore(%dma_start3A_119 : memref<!tpu.dma_semaphore, #tpu.memory_space<semaphore_mem>>)
    %dma_wait3A_120 = arith.constant 1 : i32
    %dma_wait3A_121 = arith.constant 1 : i32
    %dma_wait3A_122 = arith.constant 0 : i32
    %dma_wait3A_123 = arith.constant 0 : i32
    %dma_wait3A_124 = tpu.memref_slice %arg6[%dma_wait3A_120, %dma_wait3A_122, %dma_wait3A_123] : memref<4x32x768xf32, #tpu.memory_space<vmem>> -> memref<1x32x768xf32, #tpu.memory_space<vmem>>
    %dma_wait3A_125 = tpu.memref_squeeze %dma_wait3A_124 : memref<1x32x768xf32, #tpu.memory_space<vmem>> -> memref<32x768xf32, #tpu.memory_space<vmem>>
    %dma_wait3A_126 = arith.constant 0 : i32
    %dma_wait3A_127 = arith.constant 0 : i32
    %dma_wait3A_128 = tpu.memref_slice %arg3[%dma_wait3A_126, %dma_wait3A_127] : memref<100000x768xf32, #tpu.memory_space<hbm>> -> memref<32x768xf32, #tpu.memory_space<hbm>>
    %dma_wait3A_129 = tpu.memref_slice %arg7[%dma_wait3A_121] : memref<4x!tpu.dma_semaphore, #tpu.memory_space<semaphore_mem>> -> memref<1x!tpu.dma_semaphore, #tpu.memory_space<semaphore_mem>>
    %dma_wait3A_130 = tpu.memref_squeeze %dma_wait3A_129 : memref<1x!tpu.dma_semaphore, #tpu.memory_space<semaphore_mem>> -> memref<!tpu.dma_semaphore, #tpu.memory_space<semaphore_mem>>
    %dma_wait3A_131 = arith.constant 0 : i32
    %dma_wait3A_132 = arith.constant 0 : i32
    %dma_wait3A_133 = tpu.memref_slice %arg6[%dma_wait3A_120, %dma_wait3A_131, %dma_wait3A_132] : memref<4x32x768xf32, #tpu.memory_space<vmem>> -> memref<1x32x768xf32, #tpu.memory_space<vmem>>
    %dma_wait3A_134 = tpu.memref_squeeze %dma_wait3A_133 : memref<1x32x768xf32, #tpu.memory_space<vmem>> -> memref<32x768xf32, #tpu.memory_space<vmem>>
    %dma_wait3A_135 = arith.constant 0 : i32
    %dma_wait3A_136 = arith.constant 0 : i32
    %dma_wait3A_137 = tpu.memref_slice %arg3[%dma_wait3A_135, %dma_wait3A_136] : memref<100000x768xf32, #tpu.memory_space<hbm>> -> memref<32x768xf32, #tpu.memory_space<hbm>>
    tpu.wait_dma2 semaphore(%dma_wait3A_130 : memref<!tpu.dma_semaphore, #tpu.memory_space<semaphore_mem>>) src(%dma_wait3A_137 : memref<32x768xf32, #tpu.memory_space<hbm>>) dst(%dma_wait3A_134 : memref<32x768xf32, #tpu.memory_space<vmem>>)
    %add3A_138 = arith.constant 32 : i32
    %add3A_139 = arith.addi %mul3A_2, %add3A_138 : i32
    %dma_start3A_140 = arith.constant 1 : i32
    %dma_start3A_141 = arith.constant 1 : i32
    %dma_start3A_142 = arith.constant 0 : i32
    %dma_start3A_143 = arith.constant 0 : i32
    %dma_start3A_144 = tpu.memref_slice %arg6[%dma_start3A_140, %dma_start3A_142, %dma_start3A_143] : memref<4x32x768xf32, #tpu.memory_space<vmem>> -> memref<1x32x768xf32, #tpu.memory_space<vmem>>
    %dma_start3A_145 = tpu.memref_squeeze %dma_start3A_144 : memref<1x32x768xf32, #tpu.memory_space<vmem>> -> memref<32x768xf32, #tpu.memory_space<vmem>>
    %dma_start3A_146 = arith.constant 0 : i32
    %dma_start3A_147 = tpu.memref_slice %arg4[%add3A_139, %dma_start3A_146] : memref<8192x768xf32, #tpu.memory_space<hbm>> -> memref<32x768xf32, #tpu.memory_space<hbm>>
    %dma_start3A_148 = tpu.memref_slice %arg8[%dma_start3A_141] : memref<4x!tpu.dma_semaphore, #tpu.memory_space<semaphore_mem>> -> memref<1x!tpu.dma_semaphore, #tpu.memory_space<semaphore_mem>>
    %dma_start3A_149 = tpu.memref_squeeze %dma_start3A_148 : memref<1x!tpu.dma_semaphore, #tpu.memory_space<semaphore_mem>> -> memref<!tpu.dma_semaphore, #tpu.memory_space<semaphore_mem>>
    %dma_start3A_150 = arith.constant 0 : i32
    %dma_start3A_151 = tpu.memref_slice %arg4[%add3A_139, %dma_start3A_150] : memref<8192x768xf32, #tpu.memory_space<hbm>> -> memref<32x768xf32, #tpu.memory_space<hbm>>
    %dma_start3A_152 = arith.constant 0 : i32
    %dma_start3A_153 = arith.constant 0 : i32
    %dma_start3A_154 = tpu.memref_slice %arg6[%dma_start3A_140, %dma_start3A_152, %dma_start3A_153] : memref<4x32x768xf32, #tpu.memory_space<vmem>> -> memref<1x32x768xf32, #tpu.memory_space<vmem>>
    %dma_start3A_155 = tpu.memref_squeeze %dma_start3A_154 : memref<1x32x768xf32, #tpu.memory_space<vmem>> -> memref<32x768xf32, #tpu.memory_space<vmem>>
    tpu.enqueue_dma source(%dma_start3A_155 : memref<32x768xf32, #tpu.memory_space<vmem>>) target(%dma_start3A_151 : memref<32x768xf32, #tpu.memory_space<hbm>>) target_semaphore(%dma_start3A_149 : memref<!tpu.dma_semaphore, #tpu.memory_space<semaphore_mem>>)
    %dma_wait3A_156 = arith.constant 1 : i32
    %dma_wait3A_157 = arith.constant 1 : i32
    %dma_wait3A_158 = arith.constant 0 : i32
    %dma_wait3A_159 = arith.constant 0 : i32
    %dma_wait3A_160 = tpu.memref_slice %arg6[%dma_wait3A_156, %dma_wait3A_158, %dma_wait3A_159] : memref<4x32x768xf32, #tpu.memory_space<vmem>> -> memref<1x32x768xf32, #tpu.memory_space<vmem>>
    %dma_wait3A_161 = tpu.memref_squeeze %dma_wait3A_160 : memref<1x32x768xf32, #tpu.memory_space<vmem>> -> memref<32x768xf32, #tpu.memory_space<vmem>>
    %dma_wait3A_162 = arith.constant 0 : i32
    %dma_wait3A_163 = arith.constant 0 : i32
    %dma_wait3A_164 = tpu.memref_slice %arg4[%dma_wait3A_162, %dma_wait3A_163] : memref<8192x768xf32, #tpu.memory_space<hbm>> -> memref<32x768xf32, #tpu.memory_space<hbm>>
    %dma_wait3A_165 = tpu.memref_slice %arg8[%dma_wait3A_157] : memref<4x!tpu.dma_semaphore, #tpu.memory_space<semaphore_mem>> -> memref<1x!tpu.dma_semaphore, #tpu.memory_space<semaphore_mem>>
    %dma_wait3A_166 = tpu.memref_squeeze %dma_wait3A_165 : memref<1x!tpu.dma_semaphore, #tpu.memory_space<semaphore_mem>> -> memref<!tpu.dma_semaphore, #tpu.memory_space<semaphore_mem>>
    %dma_wait3A_167 = arith.constant 0 : i32
    %dma_wait3A_168 = arith.constant 0 : i32
    %dma_wait3A_169 = tpu.memref_slice %arg4[%dma_wait3A_167, %dma_wait3A_168] : memref<8192x768xf32, #tpu.memory_space<hbm>> -> memref<32x768xf32, #tpu.memory_space<hbm>>
    %dma_wait3A_170 = arith.constant 0 : i32
    %dma_wait3A_171 = arith.constant 0 : i32
    %dma_wait3A_172 = tpu.memref_slice %arg6[%dma_wait3A_156, %dma_wait3A_170, %dma_wait3A_171] : memref<4x32x768xf32, #tpu.memory_space<vmem>> -> memref<1x32x768xf32, #tpu.memory_space<vmem>>
    %dma_wait3A_173 = tpu.memref_squeeze %dma_wait3A_172 : memref<1x32x768xf32, #tpu.memory_space<vmem>> -> memref<32x768xf32, #tpu.memory_space<vmem>>
    tpu.wait_dma2 semaphore(%dma_wait3A_166 : memref<!tpu.dma_semaphore, #tpu.memory_space<semaphore_mem>>) src(%dma_wait3A_173 : memref<32x768xf32, #tpu.memory_space<vmem>>) dst(%dma_wait3A_169 : memref<32x768xf32, #tpu.memory_space<hbm>>)
    %dma_start3A_174 = arith.constant 1 : i32
    %dma_start3A_175 = arith.constant 1 : i32
    %dma_start3A_176 = arith.constant 0 : i32
    %dma_start3A_177 = arith.constant 0 : i32
    %dma_start3A_178 = tpu.memref_slice %arg6[%dma_start3A_174, %dma_start3A_176, %dma_start3A_177] : memref<4x32x768xf32, #tpu.memory_space<vmem>> -> memref<1x32x768xf32, #tpu.memory_space<vmem>>
    %dma_start3A_179 = tpu.memref_squeeze %dma_start3A_178 : memref<1x32x768xf32, #tpu.memory_space<vmem>> -> memref<32x768xf32, #tpu.memory_space<vmem>>
    %dma_start3A_180 = arith.constant 160 : i32
    %dma_start3A_181 = tpu.memref_slice %arg5[%dma_start3A_180] : memref<256xi32, #tpu.memory_space<vmem>> -> memref<32xi32, #tpu.memory_space<vmem>>
    %dma_start3A_182 = arith.constant 0 : i32
    %dma_start3A_183 = arith.constant 0 : i32
    %dma_start3A_184 = tpu.memref_slice %arg3[%dma_start3A_182, %dma_start3A_183] : memref<100000x768xf32, #tpu.memory_space<hbm>> -> memref<100000x768xf32, #tpu.memory_space<hbm>>
    %dma_start3A_185 = tpu.memref_slice %arg7[%dma_start3A_175] : memref<4x!tpu.dma_semaphore, #tpu.memory_space<semaphore_mem>> -> memref<1x!tpu.dma_semaphore, #tpu.memory_space<semaphore_mem>>
    %dma_start3A_186 = tpu.memref_squeeze %dma_start3A_185 : memref<1x!tpu.dma_semaphore, #tpu.memory_space<semaphore_mem>> -> memref<!tpu.dma_semaphore, #tpu.memory_space<semaphore_mem>>
    tpu.enqueue_indirect_dma source(%dma_start3A_184 : memref<100000x768xf32, #tpu.memory_space<hbm>>) target(%dma_start3A_179 : memref<32x768xf32, #tpu.memory_space<vmem>>) offsets(%dma_start3A_181 : memref<32xi32, #tpu.memory_space<vmem>>) semaphore(%dma_start3A_186 : memref<!tpu.dma_semaphore, #tpu.memory_space<semaphore_mem>>)
    %dma_wait3A_187 = arith.constant 2 : i32
    %dma_wait3A_188 = arith.constant 2 : i32
    %dma_wait3A_189 = arith.constant 0 : i32
    %dma_wait3A_190 = arith.constant 0 : i32
    %dma_wait3A_191 = tpu.memref_slice %arg6[%dma_wait3A_187, %dma_wait3A_189, %dma_wait3A_190] : memref<4x32x768xf32, #tpu.memory_space<vmem>> -> memref<1x32x768xf32, #tpu.memory_space<vmem>>
    %dma_wait3A_192 = tpu.memref_squeeze %dma_wait3A_191 : memref<1x32x768xf32, #tpu.memory_space<vmem>> -> memref<32x768xf32, #tpu.memory_space<vmem>>
    %dma_wait3A_193 = arith.constant 0 : i32
    %dma_wait3A_194 = arith.constant 0 : i32
    %dma_wait3A_195 = tpu.memref_slice %arg3[%dma_wait3A_193, %dma_wait3A_194] : memref<100000x768xf32, #tpu.memory_space<hbm>> -> memref<32x768xf32, #tpu.memory_space<hbm>>
    %dma_wait3A_196 = tpu.memref_slice %arg7[%dma_wait3A_188] : memref<4x!tpu.dma_semaphore, #tpu.memory_space<semaphore_mem>> -> memref<1x!tpu.dma_semaphore, #tpu.memory_space<semaphore_mem>>
    %dma_wait3A_197 = tpu.memref_squeeze %dma_wait3A_196 : memref<1x!tpu.dma_semaphore, #tpu.memory_space<semaphore_mem>> -> memref<!tpu.dma_semaphore, #tpu.memory_space<semaphore_mem>>
    %dma_wait3A_198 = arith.constant 0 : i32
    %dma_wait3A_199 = arith.constant 0 : i32
    %dma_wait3A_200 = tpu.memref_slice %arg6[%dma_wait3A_187, %dma_wait3A_198, %dma_wait3A_199] : memref<4x32x768xf32, #tpu.memory_space<vmem>> -> memref<1x32x768xf32, #tpu.memory_space<vmem>>
    %dma_wait3A_201 = tpu.memref_squeeze %dma_wait3A_200 : memref<1x32x768xf32, #tpu.memory_space<vmem>> -> memref<32x768xf32, #tpu.memory_space<vmem>>
    %dma_wait3A_202 = arith.constant 0 : i32
    %dma_wait3A_203 = arith.constant 0 : i32
    %dma_wait3A_204 = tpu.memref_slice %arg3[%dma_wait3A_202, %dma_wait3A_203] : memref<100000x768xf32, #tpu.memory_space<hbm>> -> memref<32x768xf32, #tpu.memory_space<hbm>>
    tpu.wait_dma2 semaphore(%dma_wait3A_197 : memref<!tpu.dma_semaphore, #tpu.memory_space<semaphore_mem>>) src(%dma_wait3A_204 : memref<32x768xf32, #tpu.memory_space<hbm>>) dst(%dma_wait3A_201 : memref<32x768xf32, #tpu.memory_space<vmem>>)
    %add3A_205 = arith.constant 64 : i32
    %add3A_206 = arith.addi %mul3A_2, %add3A_205 : i32
    %dma_start3A_207 = arith.constant 2 : i32
    %dma_start3A_208 = arith.constant 2 : i32
    %dma_start3A_209 = arith.constant 0 : i32
    %dma_start3A_210 = arith.constant 0 : i32
    %dma_start3A_211 = tpu.memref_slice %arg6[%dma_start3A_207, %dma_start3A_209, %dma_start3A_210] : memref<4x32x768xf32, #tpu.memory_space<vmem>> -> memref<1x32x768xf32, #tpu.memory_space<vmem>>
    %dma_start3A_212 = tpu.memref_squeeze %dma_start3A_211 : memref<1x32x768xf32, #tpu.memory_space<vmem>> -> memref<32x768xf32, #tpu.memory_space<vmem>>
    %dma_start3A_213 = arith.constant 0 : i32
    %dma_start3A_214 = tpu.memref_slice %arg4[%add3A_206, %dma_start3A_213] : memref<8192x768xf32, #tpu.memory_space<hbm>> -> memref<32x768xf32, #tpu.memory_space<hbm>>
    %dma_start3A_215 = tpu.memref_slice %arg8[%dma_start3A_208] : memref<4x!tpu.dma_semaphore, #tpu.memory_space<semaphore_mem>> -> memref<1x!tpu.dma_semaphore, #tpu.memory_space<semaphore_mem>>
    %dma_start3A_216 = tpu.memref_squeeze %dma_start3A_215 : memref<1x!tpu.dma_semaphore, #tpu.memory_space<semaphore_mem>> -> memref<!tpu.dma_semaphore, #tpu.memory_space<semaphore_mem>>
    %dma_start3A_217 = arith.constant 0 : i32
    %dma_start3A_218 = tpu.memref_slice %arg4[%add3A_206, %dma_start3A_217] : memref<8192x768xf32, #tpu.memory_space<hbm>> -> memref<32x768xf32, #tpu.memory_space<hbm>>
    %dma_start3A_219 = arith.constant 0 : i32
    %dma_start3A_220 = arith.constant 0 : i32
    %dma_start3A_221 = tpu.memref_slice %arg6[%dma_start3A_207, %dma_start3A_219, %dma_start3A_220] : memref<4x32x768xf32, #tpu.memory_space<vmem>> -> memref<1x32x768xf32, #tpu.memory_space<vmem>>
    %dma_start3A_222 = tpu.memref_squeeze %dma_start3A_221 : memref<1x32x768xf32, #tpu.memory_space<vmem>> -> memref<32x768xf32, #tpu.memory_space<vmem>>
    tpu.enqueue_dma source(%dma_start3A_222 : memref<32x768xf32, #tpu.memory_space<vmem>>) target(%dma_start3A_218 : memref<32x768xf32, #tpu.memory_space<hbm>>) target_semaphore(%dma_start3A_216 : memref<!tpu.dma_semaphore, #tpu.memory_space<semaphore_mem>>)
    %dma_wait3A_223 = arith.constant 2 : i32
    %dma_wait3A_224 = arith.constant 2 : i32
    %dma_wait3A_225 = arith.constant 0 : i32
    %dma_wait3A_226 = arith.constant 0 : i32
    %dma_wait3A_227 = tpu.memref_slice %arg6[%dma_wait3A_223, %dma_wait3A_225, %dma_wait3A_226] : memref<4x32x768xf32, #tpu.memory_space<vmem>> -> memref<1x32x768xf32, #tpu.memory_space<vmem>>
    %dma_wait3A_228 = tpu.memref_squeeze %dma_wait3A_227 : memref<1x32x768xf32, #tpu.memory_space<vmem>> -> memref<32x768xf32, #tpu.memory_space<vmem>>
    %dma_wait3A_229 = arith.constant 0 : i32
    %dma_wait3A_230 = arith.constant 0 : i32
    %dma_wait3A_231 = tpu.memref_slice %arg4[%dma_wait3A_229, %dma_wait3A_230] : memref<8192x768xf32, #tpu.memory_space<hbm>> -> memref<32x768xf32, #tpu.memory_space<hbm>>
    %dma_wait3A_232 = tpu.memref_slice %arg8[%dma_wait3A_224] : memref<4x!tpu.dma_semaphore, #tpu.memory_space<semaphore_mem>> -> memref<1x!tpu.dma_semaphore, #tpu.memory_space<semaphore_mem>>
    %dma_wait3A_233 = tpu.memref_squeeze %dma_wait3A_232 : memref<1x!tpu.dma_semaphore, #tpu.memory_space<semaphore_mem>> -> memref<!tpu.dma_semaphore, #tpu.memory_space<semaphore_mem>>
    %dma_wait3A_234 = arith.constant 0 : i32
    %dma_wait3A_235 = arith.constant 0 : i32
    %dma_wait3A_236 = tpu.memref_slice %arg4[%dma_wait3A_234, %dma_wait3A_235] : memref<8192x768xf32, #tpu.memory_space<hbm>> -> memref<32x768xf32, #tpu.memory_space<hbm>>
    %dma_wait3A_237 = arith.constant 0 : i32
    %dma_wait3A_238 = arith.constant 0 : i32
    %dma_wait3A_239 = tpu.memref_slice %arg6[%dma_wait3A_223, %dma_wait3A_237, %dma_wait3A_238] : memref<4x32x768xf32, #tpu.memory_space<vmem>> -> memref<1x32x768xf32, #tpu.memory_space<vmem>>
    %dma_wait3A_240 = tpu.memref_squeeze %dma_wait3A_239 : memref<1x32x768xf32, #tpu.memory_space<vmem>> -> memref<32x768xf32, #tpu.memory_space<vmem>>
    tpu.wait_dma2 semaphore(%dma_wait3A_233 : memref<!tpu.dma_semaphore, #tpu.memory_space<semaphore_mem>>) src(%dma_wait3A_240 : memref<32x768xf32, #tpu.memory_space<vmem>>) dst(%dma_wait3A_236 : memref<32x768xf32, #tpu.memory_space<hbm>>)
    %dma_start3A_241 = arith.constant 2 : i32
    %dma_start3A_242 = arith.constant 2 : i32
    %dma_start3A_243 = arith.constant 0 : i32
    %dma_start3A_244 = arith.constant 0 : i32
    %dma_start3A_245 = tpu.memref_slice %arg6[%dma_start3A_241, %dma_start3A_243, %dma_start3A_244] : memref<4x32x768xf32, #tpu.memory_space<vmem>> -> memref<1x32x768xf32, #tpu.memory_space<vmem>>
    %dma_start3A_246 = tpu.memref_squeeze %dma_start3A_245 : memref<1x32x768xf32, #tpu.memory_space<vmem>> -> memref<32x768xf32, #tpu.memory_space<vmem>>
    %dma_start3A_247 = arith.constant 192 : i32
    %dma_start3A_248 = tpu.memref_slice %arg5[%dma_start3A_247] : memref<256xi32, #tpu.memory_space<vmem>> -> memref<32xi32, #tpu.memory_space<vmem>>
    %dma_start3A_249 = arith.constant 0 : i32
    %dma_start3A_250 = arith.constant 0 : i32
    %dma_start3A_251 = tpu.memref_slice %arg3[%dma_start3A_249, %dma_start3A_250] : memref<100000x768xf32, #tpu.memory_space<hbm>> -> memref<100000x768xf32, #tpu.memory_space<hbm>>
    %dma_start3A_252 = tpu.memref_slice %arg7[%dma_start3A_242] : memref<4x!tpu.dma_semaphore, #tpu.memory_space<semaphore_mem>> -> memref<1x!tpu.dma_semaphore, #tpu.memory_space<semaphore_mem>>
    %dma_start3A_253 = tpu.memref_squeeze %dma_start3A_252 : memref<1x!tpu.dma_semaphore, #tpu.memory_space<semaphore_mem>> -> memref<!tpu.dma_semaphore, #tpu.memory_space<semaphore_mem>>
    tpu.enqueue_indirect_dma source(%dma_start3A_251 : memref<100000x768xf32, #tpu.memory_space<hbm>>) target(%dma_start3A_246 : memref<32x768xf32, #tpu.memory_space<vmem>>) offsets(%dma_start3A_248 : memref<32xi32, #tpu.memory_space<vmem>>) semaphore(%dma_start3A_253 : memref<!tpu.dma_semaphore, #tpu.memory_space<semaphore_mem>>)
    %dma_wait3A_254 = arith.constant 3 : i32
    %dma_wait3A_255 = arith.constant 3 : i32
    %dma_wait3A_256 = arith.constant 0 : i32
    %dma_wait3A_257 = arith.constant 0 : i32
    %dma_wait3A_258 = tpu.memref_slice %arg6[%dma_wait3A_254, %dma_wait3A_256, %dma_wait3A_257] : memref<4x32x768xf32, #tpu.memory_space<vmem>> -> memref<1x32x768xf32, #tpu.memory_space<vmem>>
    %dma_wait3A_259 = tpu.memref_squeeze %dma_wait3A_258 : memref<1x32x768xf32, #tpu.memory_space<vmem>> -> memref<32x768xf32, #tpu.memory_space<vmem>>
    %dma_wait3A_260 = arith.constant 0 : i32
    %dma_wait3A_261 = arith.constant 0 : i32
    %dma_wait3A_262 = tpu.memref_slice %arg3[%dma_wait3A_260, %dma_wait3A_261] : memref<100000x768xf32, #tpu.memory_space<hbm>> -> memref<32x768xf32, #tpu.memory_space<hbm>>
    %dma_wait3A_263 = tpu.memref_slice %arg7[%dma_wait3A_255] : memref<4x!tpu.dma_semaphore, #tpu.memory_space<semaphore_mem>> -> memref<1x!tpu.dma_semaphore, #tpu.memory_space<semaphore_mem>>
    %dma_wait3A_264 = tpu.memref_squeeze %dma_wait3A_263 : memref<1x!tpu.dma_semaphore, #tpu.memory_space<semaphore_mem>> -> memref<!tpu.dma_semaphore, #tpu.memory_space<semaphore_mem>>
    %dma_wait3A_265 = arith.constant 0 : i32
    %dma_wait3A_266 = arith.constant 0 : i32
    %dma_wait3A_267 = tpu.memref_slice %arg6[%dma_wait3A_254, %dma_wait3A_265, %dma_wait3A_266] : memref<4x32x768xf32, #tpu.memory_space<vmem>> -> memref<1x32x768xf32, #tpu.memory_space<vmem>>
    %dma_wait3A_268 = tpu.memref_squeeze %dma_wait3A_267 : memref<1x32x768xf32, #tpu.memory_space<vmem>> -> memref<32x768xf32, #tpu.memory_space<vmem>>
    %dma_wait3A_269 = arith.constant 0 : i32
    %dma_wait3A_270 = arith.constant 0 : i32
    %dma_wait3A_271 = tpu.memref_slice %arg3[%dma_wait3A_269, %dma_wait3A_270] : memref<100000x768xf32, #tpu.memory_space<hbm>> -> memref<32x768xf32, #tpu.memory_space<hbm>>
    tpu.wait_dma2 semaphore(%dma_wait3A_264 : memref<!tpu.dma_semaphore, #tpu.memory_space<semaphore_mem>>) src(%dma_wait3A_271 : memref<32x768xf32, #tpu.memory_space<hbm>>) dst(%dma_wait3A_268 : memref<32x768xf32, #tpu.memory_space<vmem>>)
    %add3A_272 = arith.constant 96 : i32
    %add3A_273 = arith.addi %mul3A_2, %add3A_272 : i32
    %dma_start3A_274 = arith.constant 3 : i32
    %dma_start3A_275 = arith.constant 3 : i32
    %dma_start3A_276 = arith.constant 0 : i32
    %dma_start3A_277 = arith.constant 0 : i32
    %dma_start3A_278 = tpu.memref_slice %arg6[%dma_start3A_274, %dma_start3A_276, %dma_start3A_277] : memref<4x32x768xf32, #tpu.memory_space<vmem>> -> memref<1x32x768xf32, #tpu.memory_space<vmem>>
    %dma_start3A_279 = tpu.memref_squeeze %dma_start3A_278 : memref<1x32x768xf32, #tpu.memory_space<vmem>> -> memref<32x768xf32, #tpu.memory_space<vmem>>
    %dma_start3A_280 = arith.constant 0 : i32
    %dma_start3A_281 = tpu.memref_slice %arg4[%add3A_273, %dma_start3A_280] : memref<8192x768xf32, #tpu.memory_space<hbm>> -> memref<32x768xf32, #tpu.memory_space<hbm>>
    %dma_start3A_282 = tpu.memref_slice %arg8[%dma_start3A_275] : memref<4x!tpu.dma_semaphore, #tpu.memory_space<semaphore_mem>> -> memref<1x!tpu.dma_semaphore, #tpu.memory_space<semaphore_mem>>
    %dma_start3A_283 = tpu.memref_squeeze %dma_start3A_282 : memref<1x!tpu.dma_semaphore, #tpu.memory_space<semaphore_mem>> -> memref<!tpu.dma_semaphore, #tpu.memory_space<semaphore_mem>>
    %dma_start3A_284 = arith.constant 0 : i32
    %dma_start3A_285 = tpu.memref_slice %arg4[%add3A_273, %dma_start3A_284] : memref<8192x768xf32, #tpu.memory_space<hbm>> -> memref<32x768xf32, #tpu.memory_space<hbm>>
    %dma_start3A_286 = arith.constant 0 : i32
    %dma_start3A_287 = arith.constant 0 : i32
    %dma_start3A_288 = tpu.memref_slice %arg6[%dma_start3A_274, %dma_start3A_286, %dma_start3A_287] : memref<4x32x768xf32, #tpu.memory_space<vmem>> -> memref<1x32x768xf32, #tpu.memory_space<vmem>>
    %dma_start3A_289 = tpu.memref_squeeze %dma_start3A_288 : memref<1x32x768xf32, #tpu.memory_space<vmem>> -> memref<32x768xf32, #tpu.memory_space<vmem>>
    tpu.enqueue_dma source(%dma_start3A_289 : memref<32x768xf32, #tpu.memory_space<vmem>>) target(%dma_start3A_285 : memref<32x768xf32, #tpu.memory_space<hbm>>) target_semaphore(%dma_start3A_283 : memref<!tpu.dma_semaphore, #tpu.memory_space<semaphore_mem>>)
    %dma_wait3A_290 = arith.constant 3 : i32
    %dma_wait3A_291 = arith.constant 3 : i32
    %dma_wait3A_292 = arith.constant 0 : i32
    %dma_wait3A_293 = arith.constant 0 : i32
    %dma_wait3A_294 = tpu.memref_slice %arg6[%dma_wait3A_290, %dma_wait3A_292, %dma_wait3A_293] : memref<4x32x768xf32, #tpu.memory_space<vmem>> -> memref<1x32x768xf32, #tpu.memory_space<vmem>>
    %dma_wait3A_295 = tpu.memref_squeeze %dma_wait3A_294 : memref<1x32x768xf32, #tpu.memory_space<vmem>> -> memref<32x768xf32, #tpu.memory_space<vmem>>
    %dma_wait3A_296 = arith.constant 0 : i32
    %dma_wait3A_297 = arith.constant 0 : i32
    %dma_wait3A_298 = tpu.memref_slice %arg4[%dma_wait3A_296, %dma_wait3A_297] : memref<8192x768xf32, #tpu.memory_space<hbm>> -> memref<32x768xf32, #tpu.memory_space<hbm>>
    %dma_wait3A_299 = tpu.memref_slice %arg8[%dma_wait3A_291] : memref<4x!tpu.dma_semaphore, #tpu.memory_space<semaphore_mem>> -> memref<1x!tpu.dma_semaphore, #tpu.memory_space<semaphore_mem>>
    %dma_wait3A_300 = tpu.memref_squeeze %dma_wait3A_299 : memref<1x!tpu.dma_semaphore, #tpu.memory_space<semaphore_mem>> -> memref<!tpu.dma_semaphore, #tpu.memory_space<semaphore_mem>>
    %dma_wait3A_301 = arith.constant 0 : i32
    %dma_wait3A_302 = arith.constant 0 : i32
    %dma_wait3A_303 = tpu.memref_slice %arg4[%dma_wait3A_301, %dma_wait3A_302] : memref<8192x768xf32, #tpu.memory_space<hbm>> -> memref<32x768xf32, #tpu.memory_space<hbm>>
    %dma_wait3A_304 = arith.constant 0 : i32
    %dma_wait3A_305 = arith.constant 0 : i32
    %dma_wait3A_306 = tpu.memref_slice %arg6[%dma_wait3A_290, %dma_wait3A_304, %dma_wait3A_305] : memref<4x32x768xf32, #tpu.memory_space<vmem>> -> memref<1x32x768xf32, #tpu.memory_space<vmem>>
    %dma_wait3A_307 = tpu.memref_squeeze %dma_wait3A_306 : memref<1x32x768xf32, #tpu.memory_space<vmem>> -> memref<32x768xf32, #tpu.memory_space<vmem>>
    tpu.wait_dma2 semaphore(%dma_wait3A_300 : memref<!tpu.dma_semaphore, #tpu.memory_space<semaphore_mem>>) src(%dma_wait3A_307 : memref<32x768xf32, #tpu.memory_space<vmem>>) dst(%dma_wait3A_303 : memref<32x768xf32, #tpu.memory_space<hbm>>)
    %dma_start3A_308 = arith.constant 3 : i32
    %dma_start3A_309 = arith.constant 3 : i32
    %dma_start3A_310 = arith.constant 0 : i32
    %dma_start3A_311 = arith.constant 0 : i32
    %dma_start3A_312 = tpu.memref_slice %arg6[%dma_start3A_308, %dma_start3A_310, %dma_start3A_311] : memref<4x32x768xf32, #tpu.memory_space<vmem>> -> memref<1x32x768xf32, #tpu.memory_space<vmem>>
    %dma_start3A_313 = tpu.memref_squeeze %dma_start3A_312 : memref<1x32x768xf32, #tpu.memory_space<vmem>> -> memref<32x768xf32, #tpu.memory_space<vmem>>
    %dma_start3A_314 = arith.constant 224 : i32
    %dma_start3A_315 = tpu.memref_slice %arg5[%dma_start3A_314] : memref<256xi32, #tpu.memory_space<vmem>> -> memref<32xi32, #tpu.memory_space<vmem>>
    %dma_start3A_316 = arith.constant 0 : i32
    %dma_start3A_317 = arith.constant 0 : i32
    %dma_start3A_318 = tpu.memref_slice %arg3[%dma_start3A_316, %dma_start3A_317] : memref<100000x768xf32, #tpu.memory_space<hbm>> -> memref<100000x768xf32, #tpu.memory_space<hbm>>
    %dma_start3A_319 = tpu.memref_slice %arg7[%dma_start3A_309] : memref<4x!tpu.dma_semaphore, #tpu.memory_space<semaphore_mem>> -> memref<1x!tpu.dma_semaphore, #tpu.memory_space<semaphore_mem>>
    %dma_start3A_320 = tpu.memref_squeeze %dma_start3A_319 : memref<1x!tpu.dma_semaphore, #tpu.memory_space<semaphore_mem>> -> memref<!tpu.dma_semaphore, #tpu.memory_space<semaphore_mem>>
    tpu.enqueue_indirect_dma source(%dma_start3A_318 : memref<100000x768xf32, #tpu.memory_space<hbm>>) target(%dma_start3A_313 : memref<32x768xf32, #tpu.memory_space<vmem>>) offsets(%dma_start3A_315 : memref<32xi32, #tpu.memory_space<vmem>>) semaphore(%dma_start3A_320 : memref<!tpu.dma_semaphore, #tpu.memory_space<semaphore_mem>>)
    %dma_wait3A_321 = arith.constant 0 : i32
    %dma_wait3A_322 = arith.constant 0 : i32
    %dma_wait3A_323 = arith.constant 0 : i32
    %dma_wait3A_324 = arith.constant 0 : i32
    %dma_wait3A_325 = tpu.memref_slice %arg6[%dma_wait3A_321, %dma_wait3A_323, %dma_wait3A_324] : memref<4x32x768xf32, #tpu.memory_space<vmem>> -> memref<1x32x768xf32, #tpu.memory_space<vmem>>
    %dma_wait3A_326 = tpu.memref_squeeze %dma_wait3A_325 : memref<1x32x768xf32, #tpu.memory_space<vmem>> -> memref<32x768xf32, #tpu.memory_space<vmem>>
    %dma_wait3A_327 = arith.constant 0 : i32
    %dma_wait3A_328 = arith.constant 0 : i32
    %dma_wait3A_329 = tpu.memref_slice %arg3[%dma_wait3A_327, %dma_wait3A_328] : memref<100000x768xf32, #tpu.memory_space<hbm>> -> memref<32x768xf32, #tpu.memory_space<hbm>>
    %dma_wait3A_330 = tpu.memref_slice %arg7[%dma_wait3A_322] : memref<4x!tpu.dma_semaphore, #tpu.memory_space<semaphore_mem>> -> memref<1x!tpu.dma_semaphore, #tpu.memory_space<semaphore_mem>>
    %dma_wait3A_331 = tpu.memref_squeeze %dma_wait3A_330 : memref<1x!tpu.dma_semaphore, #tpu.memory_space<semaphore_mem>> -> memref<!tpu.dma_semaphore, #tpu.memory_space<semaphore_mem>>
    %dma_wait3A_332 = arith.constant 0 : i32
    %dma_wait3A_333 = arith.constant 0 : i32
    %dma_wait3A_334 = tpu.memref_slice %arg6[%dma_wait3A_321, %dma_wait3A_332, %dma_wait3A_333] : memref<4x32x768xf32, #tpu.memory_space<vmem>> -> memref<1x32x768xf32, #tpu.memory_space<vmem>>
    %dma_wait3A_335 = tpu.memref_squeeze %dma_wait3A_334 : memref<1x32x768xf32, #tpu.memory_space<vmem>> -> memref<32x768xf32, #tpu.memory_space<vmem>>
    %dma_wait3A_336 = arith.constant 0 : i32
    %dma_wait3A_337 = arith.constant 0 : i32
    %dma_wait3A_338 = tpu.memref_slice %arg3[%dma_wait3A_336, %dma_wait3A_337] : memref<100000x768xf32, #tpu.memory_space<hbm>> -> memref<32x768xf32, #tpu.memory_space<hbm>>
    tpu.wait_dma2 semaphore(%dma_wait3A_331 : memref<!tpu.dma_semaphore, #tpu.memory_space<semaphore_mem>>) src(%dma_wait3A_338 : memref<32x768xf32, #tpu.memory_space<hbm>>) dst(%dma_wait3A_335 : memref<32x768xf32, #tpu.memory_space<vmem>>)
    %add3A_339 = arith.constant 128 : i32
    %add3A_340 = arith.addi %mul3A_2, %add3A_339 : i32
    %dma_start3A_341 = arith.constant 0 : i32
    %dma_start3A_342 = arith.constant 0 : i32
    %dma_start3A_343 = arith.constant 0 : i32
    %dma_start3A_344 = arith.constant 0 : i32
    %dma_start3A_345 = tpu.memref_slice %arg6[%dma_start3A_341, %dma_start3A_343, %dma_start3A_344] : memref<4x32x768xf32, #tpu.memory_space<vmem>> -> memref<1x32x768xf32, #tpu.memory_space<vmem>>
    %dma_start3A_346 = tpu.memref_squeeze %dma_start3A_345 : memref<1x32x768xf32, #tpu.memory_space<vmem>> -> memref<32x768xf32, #tpu.memory_space<vmem>>
    %dma_start3A_347 = arith.constant 0 : i32
    %dma_start3A_348 = tpu.memref_slice %arg4[%add3A_340, %dma_start3A_347] : memref<8192x768xf32, #tpu.memory_space<hbm>> -> memref<32x768xf32, #tpu.memory_space<hbm>>
    %dma_start3A_349 = tpu.memref_slice %arg8[%dma_start3A_342] : memref<4x!tpu.dma_semaphore, #tpu.memory_space<semaphore_mem>> -> memref<1x!tpu.dma_semaphore, #tpu.memory_space<semaphore_mem>>
    %dma_start3A_350 = tpu.memref_squeeze %dma_start3A_349 : memref<1x!tpu.dma_semaphore, #tpu.memory_space<semaphore_mem>> -> memref<!tpu.dma_semaphore, #tpu.memory_space<semaphore_mem>>
    %dma_start3A_351 = arith.constant 0 : i32
    %dma_start3A_352 = tpu.memref_slice %arg4[%add3A_340, %dma_start3A_351] : memref<8192x768xf32, #tpu.memory_space<hbm>> -> memref<32x768xf32, #tpu.memory_space<hbm>>
    %dma_start3A_353 = arith.constant 0 : i32
    %dma_start3A_354 = arith.constant 0 : i32
    %dma_start3A_355 = tpu.memref_slice %arg6[%dma_start3A_341, %dma_start3A_353, %dma_start3A_354] : memref<4x32x768xf32, #tpu.memory_space<vmem>> -> memref<1x32x768xf32, #tpu.memory_space<vmem>>
    %dma_start3A_356 = tpu.memref_squeeze %dma_start3A_355 : memref<1x32x768xf32, #tpu.memory_space<vmem>> -> memref<32x768xf32, #tpu.memory_space<vmem>>
    tpu.enqueue_dma source(%dma_start3A_356 : memref<32x768xf32, #tpu.memory_space<vmem>>) target(%dma_start3A_352 : memref<32x768xf32, #tpu.memory_space<hbm>>) target_semaphore(%dma_start3A_350 : memref<!tpu.dma_semaphore, #tpu.memory_space<semaphore_mem>>)
    %dma_wait3A_357 = arith.constant 1 : i32
    %dma_wait3A_358 = arith.constant 1 : i32
    %dma_wait3A_359 = arith.constant 0 : i32
    %dma_wait3A_360 = arith.constant 0 : i32
    %dma_wait3A_361 = tpu.memref_slice %arg6[%dma_wait3A_357, %dma_wait3A_359, %dma_wait3A_360] : memref<4x32x768xf32, #tpu.memory_space<vmem>> -> memref<1x32x768xf32, #tpu.memory_space<vmem>>
    %dma_wait3A_362 = tpu.memref_squeeze %dma_wait3A_361 : memref<1x32x768xf32, #tpu.memory_space<vmem>> -> memref<32x768xf32, #tpu.memory_space<vmem>>
    %dma_wait3A_363 = arith.constant 0 : i32
    %dma_wait3A_364 = arith.constant 0 : i32
    %dma_wait3A_365 = tpu.memref_slice %arg3[%dma_wait3A_363, %dma_wait3A_364] : memref<100000x768xf32, #tpu.memory_space<hbm>> -> memref<32x768xf32, #tpu.memory_space<hbm>>
    %dma_wait3A_366 = tpu.memref_slice %arg7[%dma_wait3A_358] : memref<4x!tpu.dma_semaphore, #tpu.memory_space<semaphore_mem>> -> memref<1x!tpu.dma_semaphore, #tpu.memory_space<semaphore_mem>>
    %dma_wait3A_367 = tpu.memref_squeeze %dma_wait3A_366 : memref<1x!tpu.dma_semaphore, #tpu.memory_space<semaphore_mem>> -> memref<!tpu.dma_semaphore, #tpu.memory_space<semaphore_mem>>
    %dma_wait3A_368 = arith.constant 0 : i32
    %dma_wait3A_369 = arith.constant 0 : i32
    %dma_wait3A_370 = tpu.memref_slice %arg6[%dma_wait3A_357, %dma_wait3A_368, %dma_wait3A_369] : memref<4x32x768xf32, #tpu.memory_space<vmem>> -> memref<1x32x768xf32, #tpu.memory_space<vmem>>
    %dma_wait3A_371 = tpu.memref_squeeze %dma_wait3A_370 : memref<1x32x768xf32, #tpu.memory_space<vmem>> -> memref<32x768xf32, #tpu.memory_space<vmem>>
    %dma_wait3A_372 = arith.constant 0 : i32
    %dma_wait3A_373 = arith.constant 0 : i32
    %dma_wait3A_374 = tpu.memref_slice %arg3[%dma_wait3A_372, %dma_wait3A_373] : memref<100000x768xf32, #tpu.memory_space<hbm>> -> memref<32x768xf32, #tpu.memory_space<hbm>>
    tpu.wait_dma2 semaphore(%dma_wait3A_367 : memref<!tpu.dma_semaphore, #tpu.memory_space<semaphore_mem>>) src(%dma_wait3A_374 : memref<32x768xf32, #tpu.memory_space<hbm>>) dst(%dma_wait3A_371 : memref<32x768xf32, #tpu.memory_space<vmem>>)
    %add3A_375 = arith.constant 160 : i32
    %add3A_376 = arith.addi %mul3A_2, %add3A_375 : i32
    %dma_start3A_377 = arith.constant 1 : i32
    %dma_start3A_378 = arith.constant 1 : i32
    %dma_start3A_379 = arith.constant 0 : i32
    %dma_start3A_380 = arith.constant 0 : i32
    %dma_start3A_381 = tpu.memref_slice %arg6[%dma_start3A_377, %dma_start3A_379, %dma_start3A_380] : memref<4x32x768xf32, #tpu.memory_space<vmem>> -> memref<1x32x768xf32, #tpu.memory_space<vmem>>
    %dma_start3A_382 = tpu.memref_squeeze %dma_start3A_381 : memref<1x32x768xf32, #tpu.memory_space<vmem>> -> memref<32x768xf32, #tpu.memory_space<vmem>>
    %dma_start3A_383 = arith.constant 0 : i32
    %dma_start3A_384 = tpu.memref_slice %arg4[%add3A_376, %dma_start3A_383] : memref<8192x768xf32, #tpu.memory_space<hbm>> -> memref<32x768xf32, #tpu.memory_space<hbm>>
    %dma_start3A_385 = tpu.memref_slice %arg8[%dma_start3A_378] : memref<4x!tpu.dma_semaphore, #tpu.memory_space<semaphore_mem>> -> memref<1x!tpu.dma_semaphore, #tpu.memory_space<semaphore_mem>>
    %dma_start3A_386 = tpu.memref_squeeze %dma_start3A_385 : memref<1x!tpu.dma_semaphore, #tpu.memory_space<semaphore_mem>> -> memref<!tpu.dma_semaphore, #tpu.memory_space<semaphore_mem>>
    %dma_start3A_387 = arith.constant 0 : i32
    %dma_start3A_388 = tpu.memref_slice %arg4[%add3A_376, %dma_start3A_387] : memref<8192x768xf32, #tpu.memory_space<hbm>> -> memref<32x768xf32, #tpu.memory_space<hbm>>
    %dma_start3A_389 = arith.constant 0 : i32
    %dma_start3A_390 = arith.constant 0 : i32
    %dma_start3A_391 = tpu.memref_slice %arg6[%dma_start3A_377, %dma_start3A_389, %dma_start3A_390] : memref<4x32x768xf32, #tpu.memory_space<vmem>> -> memref<1x32x768xf32, #tpu.memory_space<vmem>>
    %dma_start3A_392 = tpu.memref_squeeze %dma_start3A_391 : memref<1x32x768xf32, #tpu.memory_space<vmem>> -> memref<32x768xf32, #tpu.memory_space<vmem>>
    tpu.enqueue_dma source(%dma_start3A_392 : memref<32x768xf32, #tpu.memory_space<vmem>>) target(%dma_start3A_388 : memref<32x768xf32, #tpu.memory_space<hbm>>) target_semaphore(%dma_start3A_386 : memref<!tpu.dma_semaphore, #tpu.memory_space<semaphore_mem>>)
    %dma_wait3A_393 = arith.constant 2 : i32
    %dma_wait3A_394 = arith.constant 2 : i32
    %dma_wait3A_395 = arith.constant 0 : i32
    %dma_wait3A_396 = arith.constant 0 : i32
    %dma_wait3A_397 = tpu.memref_slice %arg6[%dma_wait3A_393, %dma_wait3A_395, %dma_wait3A_396] : memref<4x32x768xf32, #tpu.memory_space<vmem>> -> memref<1x32x768xf32, #tpu.memory_space<vmem>>
    %dma_wait3A_398 = tpu.memref_squeeze %dma_wait3A_397 : memref<1x32x768xf32, #tpu.memory_space<vmem>> -> memref<32x768xf32, #tpu.memory_space<vmem>>
    %dma_wait3A_399 = arith.constant 0 : i32
    %dma_wait3A_400 = arith.constant 0 : i32
    %dma_wait3A_401 = tpu.memref_slice %arg3[%dma_wait3A_399, %dma_wait3A_400] : memref<100000x768xf32, #tpu.memory_space<hbm>> -> memref<32x768xf32, #tpu.memory_space<hbm>>
    %dma_wait3A_402 = tpu.memref_slice %arg7[%dma_wait3A_394] : memref<4x!tpu.dma_semaphore, #tpu.memory_space<semaphore_mem>> -> memref<1x!tpu.dma_semaphore, #tpu.memory_space<semaphore_mem>>
    %dma_wait3A_403 = tpu.memref_squeeze %dma_wait3A_402 : memref<1x!tpu.dma_semaphore, #tpu.memory_space<semaphore_mem>> -> memref<!tpu.dma_semaphore, #tpu.memory_space<semaphore_mem>>
    %dma_wait3A_404 = arith.constant 0 : i32
    %dma_wait3A_405 = arith.constant 0 : i32
    %dma_wait3A_406 = tpu.memref_slice %arg6[%dma_wait3A_393, %dma_wait3A_404, %dma_wait3A_405] : memref<4x32x768xf32, #tpu.memory_space<vmem>> -> memref<1x32x768xf32, #tpu.memory_space<vmem>>
    %dma_wait3A_407 = tpu.memref_squeeze %dma_wait3A_406 : memref<1x32x768xf32, #tpu.memory_space<vmem>> -> memref<32x768xf32, #tpu.memory_space<vmem>>
    %dma_wait3A_408 = arith.constant 0 : i32
    %dma_wait3A_409 = arith.constant 0 : i32
    %dma_wait3A_410 = tpu.memref_slice %arg3[%dma_wait3A_408, %dma_wait3A_409] : memref<100000x768xf32, #tpu.memory_space<hbm>> -> memref<32x768xf32, #tpu.memory_space<hbm>>
    tpu.wait_dma2 semaphore(%dma_wait3A_403 : memref<!tpu.dma_semaphore, #tpu.memory_space<semaphore_mem>>) src(%dma_wait3A_410 : memref<32x768xf32, #tpu.memory_space<hbm>>) dst(%dma_wait3A_407 : memref<32x768xf32, #tpu.memory_space<vmem>>)
    %add3A_411 = arith.constant 192 : i32
    %add3A_412 = arith.addi %mul3A_2, %add3A_411 : i32
    %dma_start3A_413 = arith.constant 2 : i32
    %dma_start3A_414 = arith.constant 2 : i32
    %dma_start3A_415 = arith.constant 0 : i32
    %dma_start3A_416 = arith.constant 0 : i32
    %dma_start3A_417 = tpu.memref_slice %arg6[%dma_start3A_413, %dma_start3A_415, %dma_start3A_416] : memref<4x32x768xf32, #tpu.memory_space<vmem>> -> memref<1x32x768xf32, #tpu.memory_space<vmem>>
    %dma_start3A_418 = tpu.memref_squeeze %dma_start3A_417 : memref<1x32x768xf32, #tpu.memory_space<vmem>> -> memref<32x768xf32, #tpu.memory_space<vmem>>
    %dma_start3A_419 = arith.constant 0 : i32
    %dma_start3A_420 = tpu.memref_slice %arg4[%add3A_412, %dma_start3A_419] : memref<8192x768xf32, #tpu.memory_space<hbm>> -> memref<32x768xf32, #tpu.memory_space<hbm>>
    %dma_start3A_421 = tpu.memref_slice %arg8[%dma_start3A_414] : memref<4x!tpu.dma_semaphore, #tpu.memory_space<semaphore_mem>> -> memref<1x!tpu.dma_semaphore, #tpu.memory_space<semaphore_mem>>
    %dma_start3A_422 = tpu.memref_squeeze %dma_start3A_421 : memref<1x!tpu.dma_semaphore, #tpu.memory_space<semaphore_mem>> -> memref<!tpu.dma_semaphore, #tpu.memory_space<semaphore_mem>>
    %dma_start3A_423 = arith.constant 0 : i32
    %dma_start3A_424 = tpu.memref_slice %arg4[%add3A_412, %dma_start3A_423] : memref<8192x768xf32, #tpu.memory_space<hbm>> -> memref<32x768xf32, #tpu.memory_space<hbm>>
    %dma_start3A_425 = arith.constant 0 : i32
    %dma_start3A_426 = arith.constant 0 : i32
    %dma_start3A_427 = tpu.memref_slice %arg6[%dma_start3A_413, %dma_start3A_425, %dma_start3A_426] : memref<4x32x768xf32, #tpu.memory_space<vmem>> -> memref<1x32x768xf32, #tpu.memory_space<vmem>>
    %dma_start3A_428 = tpu.memref_squeeze %dma_start3A_427 : memref<1x32x768xf32, #tpu.memory_space<vmem>> -> memref<32x768xf32, #tpu.memory_space<vmem>>
    tpu.enqueue_dma source(%dma_start3A_428 : memref<32x768xf32, #tpu.memory_space<vmem>>) target(%dma_start3A_424 : memref<32x768xf32, #tpu.memory_space<hbm>>) target_semaphore(%dma_start3A_422 : memref<!tpu.dma_semaphore, #tpu.memory_space<semaphore_mem>>)
    %dma_wait3A_429 = arith.constant 3 : i32
    %dma_wait3A_430 = arith.constant 3 : i32
    %dma_wait3A_431 = arith.constant 0 : i32
    %dma_wait3A_432 = arith.constant 0 : i32
    %dma_wait3A_433 = tpu.memref_slice %arg6[%dma_wait3A_429, %dma_wait3A_431, %dma_wait3A_432] : memref<4x32x768xf32, #tpu.memory_space<vmem>> -> memref<1x32x768xf32, #tpu.memory_space<vmem>>
    %dma_wait3A_434 = tpu.memref_squeeze %dma_wait3A_433 : memref<1x32x768xf32, #tpu.memory_space<vmem>> -> memref<32x768xf32, #tpu.memory_space<vmem>>
    %dma_wait3A_435 = arith.constant 0 : i32
    %dma_wait3A_436 = arith.constant 0 : i32
    %dma_wait3A_437 = tpu.memref_slice %arg3[%dma_wait3A_435, %dma_wait3A_436] : memref<100000x768xf32, #tpu.memory_space<hbm>> -> memref<32x768xf32, #tpu.memory_space<hbm>>
    %dma_wait3A_438 = tpu.memref_slice %arg7[%dma_wait3A_430] : memref<4x!tpu.dma_semaphore, #tpu.memory_space<semaphore_mem>> -> memref<1x!tpu.dma_semaphore, #tpu.memory_space<semaphore_mem>>
    %dma_wait3A_439 = tpu.memref_squeeze %dma_wait3A_438 : memref<1x!tpu.dma_semaphore, #tpu.memory_space<semaphore_mem>> -> memref<!tpu.dma_semaphore, #tpu.memory_space<semaphore_mem>>
    %dma_wait3A_440 = arith.constant 0 : i32
    %dma_wait3A_441 = arith.constant 0 : i32
    %dma_wait3A_442 = tpu.memref_slice %arg6[%dma_wait3A_429, %dma_wait3A_440, %dma_wait3A_441] : memref<4x32x768xf32, #tpu.memory_space<vmem>> -> memref<1x32x768xf32, #tpu.memory_space<vmem>>
    %dma_wait3A_443 = tpu.memref_squeeze %dma_wait3A_442 : memref<1x32x768xf32, #tpu.memory_space<vmem>> -> memref<32x768xf32, #tpu.memory_space<vmem>>
    %dma_wait3A_444 = arith.constant 0 : i32
    %dma_wait3A_445 = arith.constant 0 : i32
    %dma_wait3A_446 = tpu.memref_slice %arg3[%dma_wait3A_444, %dma_wait3A_445] : memref<100000x768xf32, #tpu.memory_space<hbm>> -> memref<32x768xf32, #tpu.memory_space<hbm>>
    tpu.wait_dma2 semaphore(%dma_wait3A_439 : memref<!tpu.dma_semaphore, #tpu.memory_space<semaphore_mem>>) src(%dma_wait3A_446 : memref<32x768xf32, #tpu.memory_space<hbm>>) dst(%dma_wait3A_443 : memref<32x768xf32, #tpu.memory_space<vmem>>)
    %add3A_447 = arith.constant 224 : i32
    %add3A_448 = arith.addi %mul3A_2, %add3A_447 : i32
    %dma_start3A_449 = arith.constant 3 : i32
    %dma_start3A_450 = arith.constant 3 : i32
    %dma_start3A_451 = arith.constant 0 : i32
    %dma_start3A_452 = arith.constant 0 : i32
    %dma_start3A_453 = tpu.memref_slice %arg6[%dma_start3A_449, %dma_start3A_451, %dma_start3A_452] : memref<4x32x768xf32, #tpu.memory_space<vmem>> -> memref<1x32x768xf32, #tpu.memory_space<vmem>>
    %dma_start3A_454 = tpu.memref_squeeze %dma_start3A_453 : memref<1x32x768xf32, #tpu.memory_space<vmem>> -> memref<32x768xf32, #tpu.memory_space<vmem>>
    %dma_start3A_455 = arith.constant 0 : i32
    %dma_start3A_456 = tpu.memref_slice %arg4[%add3A_448, %dma_start3A_455] : memref<8192x768xf32, #tpu.memory_space<hbm>> -> memref<32x768xf32, #tpu.memory_space<hbm>>
    %dma_start3A_457 = tpu.memref_slice %arg8[%dma_start3A_450] : memref<4x!tpu.dma_semaphore, #tpu.memory_space<semaphore_mem>> -> memref<1x!tpu.dma_semaphore, #tpu.memory_space<semaphore_mem>>
    %dma_start3A_458 = tpu.memref_squeeze %dma_start3A_457 : memref<1x!tpu.dma_semaphore, #tpu.memory_space<semaphore_mem>> -> memref<!tpu.dma_semaphore, #tpu.memory_space<semaphore_mem>>
    %dma_start3A_459 = arith.constant 0 : i32
    %dma_start3A_460 = tpu.memref_slice %arg4[%add3A_448, %dma_start3A_459] : memref<8192x768xf32, #tpu.memory_space<hbm>> -> memref<32x768xf32, #tpu.memory_space<hbm>>
    %dma_start3A_461 = arith.constant 0 : i32
    %dma_start3A_462 = arith.constant 0 : i32
    %dma_start3A_463 = tpu.memref_slice %arg6[%dma_start3A_449, %dma_start3A_461, %dma_start3A_462] : memref<4x32x768xf32, #tpu.memory_space<vmem>> -> memref<1x32x768xf32, #tpu.memory_space<vmem>>
    %dma_start3A_464 = tpu.memref_squeeze %dma_start3A_463 : memref<1x32x768xf32, #tpu.memory_space<vmem>> -> memref<32x768xf32, #tpu.memory_space<vmem>>
    tpu.enqueue_dma source(%dma_start3A_464 : memref<32x768xf32, #tpu.memory_space<vmem>>) target(%dma_start3A_460 : memref<32x768xf32, #tpu.memory_space<hbm>>) target_semaphore(%dma_start3A_458 : memref<!tpu.dma_semaphore, #tpu.memory_space<semaphore_mem>>)
    %dma_wait3A_465 = arith.constant 0 : i32
    %dma_wait3A_466 = arith.constant 0 : i32
    %dma_wait3A_467 = arith.constant 0 : i32
    %dma_wait3A_468 = arith.constant 0 : i32
    %dma_wait3A_469 = tpu.memref_slice %arg6[%dma_wait3A_465, %dma_wait3A_467, %dma_wait3A_468] : memref<4x32x768xf32, #tpu.memory_space<vmem>> -> memref<1x32x768xf32, #tpu.memory_space<vmem>>
    %dma_wait3A_470 = tpu.memref_squeeze %dma_wait3A_469 : memref<1x32x768xf32, #tpu.memory_space<vmem>> -> memref<32x768xf32, #tpu.memory_space<vmem>>
    %dma_wait3A_471 = arith.constant 0 : i32
    %dma_wait3A_472 = arith.constant 0 : i32
    %dma_wait3A_473 = tpu.memref_slice %arg4[%dma_wait3A_471, %dma_wait3A_472] : memref<8192x768xf32, #tpu.memory_space<hbm>> -> memref<32x768xf32, #tpu.memory_space<hbm>>
    %dma_wait3A_474 = tpu.memref_slice %arg8[%dma_wait3A_466] : memref<4x!tpu.dma_semaphore, #tpu.memory_space<semaphore_mem>> -> memref<1x!tpu.dma_semaphore, #tpu.memory_space<semaphore_mem>>
    %dma_wait3A_475 = tpu.memref_squeeze %dma_wait3A_474 : memref<1x!tpu.dma_semaphore, #tpu.memory_space<semaphore_mem>> -> memref<!tpu.dma_semaphore, #tpu.memory_space<semaphore_mem>>
    %dma_wait3A_476 = arith.constant 0 : i32
    %dma_wait3A_477 = arith.constant 0 : i32
    %dma_wait3A_478 = tpu.memref_slice %arg4[%dma_wait3A_476, %dma_wait3A_477] : memref<8192x768xf32, #tpu.memory_space<hbm>> -> memref<32x768xf32, #tpu.memory_space<hbm>>
    %dma_wait3A_479 = arith.constant 0 : i32
    %dma_wait3A_480 = arith.constant 0 : i32
    %dma_wait3A_481 = tpu.memref_slice %arg6[%dma_wait3A_465, %dma_wait3A_479, %dma_wait3A_480] : memref<4x32x768xf32, #tpu.memory_space<vmem>> -> memref<1x32x768xf32, #tpu.memory_space<vmem>>
    %dma_wait3A_482 = tpu.memref_squeeze %dma_wait3A_481 : memref<1x32x768xf32, #tpu.memory_space<vmem>> -> memref<32x768xf32, #tpu.memory_space<vmem>>
    tpu.wait_dma2 semaphore(%dma_wait3A_475 : memref<!tpu.dma_semaphore, #tpu.memory_space<semaphore_mem>>) src(%dma_wait3A_482 : memref<32x768xf32, #tpu.memory_space<vmem>>) dst(%dma_wait3A_478 : memref<32x768xf32, #tpu.memory_space<hbm>>)
    %dma_wait3A_483 = arith.constant 1 : i32
    %dma_wait3A_484 = arith.constant 1 : i32
    %dma_wait3A_485 = arith.constant 0 : i32
    %dma_wait3A_486 = arith.constant 0 : i32
    %dma_wait3A_487 = tpu.memref_slice %arg6[%dma_wait3A_483, %dma_wait3A_485, %dma_wait3A_486] : memref<4x32x768xf32, #tpu.memory_space<vmem>> -> memref<1x32x768xf32, #tpu.memory_space<vmem>>
    %dma_wait3A_488 = tpu.memref_squeeze %dma_wait3A_487 : memref<1x32x768xf32, #tpu.memory_space<vmem>> -> memref<32x768xf32, #tpu.memory_space<vmem>>
    %dma_wait3A_489 = arith.constant 0 : i32
    %dma_wait3A_490 = arith.constant 0 : i32
    %dma_wait3A_491 = tpu.memref_slice %arg4[%dma_wait3A_489, %dma_wait3A_490] : memref<8192x768xf32, #tpu.memory_space<hbm>> -> memref<32x768xf32, #tpu.memory_space<hbm>>
    %dma_wait3A_492 = tpu.memref_slice %arg8[%dma_wait3A_484] : memref<4x!tpu.dma_semaphore, #tpu.memory_space<semaphore_mem>> -> memref<1x!tpu.dma_semaphore, #tpu.memory_space<semaphore_mem>>
    %dma_wait3A_493 = tpu.memref_squeeze %dma_wait3A_492 : memref<1x!tpu.dma_semaphore, #tpu.memory_space<semaphore_mem>> -> memref<!tpu.dma_semaphore, #tpu.memory_space<semaphore_mem>>
    %dma_wait3A_494 = arith.constant 0 : i32
    %dma_wait3A_495 = arith.constant 0 : i32
    %dma_wait3A_496 = tpu.memref_slice %arg4[%dma_wait3A_494, %dma_wait3A_495] : memref<8192x768xf32, #tpu.memory_space<hbm>> -> memref<32x768xf32, #tpu.memory_space<hbm>>
    %dma_wait3A_497 = arith.constant 0 : i32
    %dma_wait3A_498 = arith.constant 0 : i32
    %dma_wait3A_499 = tpu.memref_slice %arg6[%dma_wait3A_483, %dma_wait3A_497, %dma_wait3A_498] : memref<4x32x768xf32, #tpu.memory_space<vmem>> -> memref<1x32x768xf32, #tpu.memory_space<vmem>>
    %dma_wait3A_500 = tpu.memref_squeeze %dma_wait3A_499 : memref<1x32x768xf32, #tpu.memory_space<vmem>> -> memref<32x768xf32, #tpu.memory_space<vmem>>
    tpu.wait_dma2 semaphore(%dma_wait3A_493 : memref<!tpu.dma_semaphore, #tpu.memory_space<semaphore_mem>>) src(%dma_wait3A_500 : memref<32x768xf32, #tpu.memory_space<vmem>>) dst(%dma_wait3A_496 : memref<32x768xf32, #tpu.memory_space<hbm>>)
    %dma_wait3A_501 = arith.constant 2 : i32
    %dma_wait3A_502 = arith.constant 2 : i32
    %dma_wait3A_503 = arith.constant 0 : i32
    %dma_wait3A_504 = arith.constant 0 : i32
    %dma_wait3A_505 = tpu.memref_slice %arg6[%dma_wait3A_501, %dma_wait3A_503, %dma_wait3A_504] : memref<4x32x768xf32, #tpu.memory_space<vmem>> -> memref<1x32x768xf32, #tpu.memory_space<vmem>>
    %dma_wait3A_506 = tpu.memref_squeeze %dma_wait3A_505 : memref<1x32x768xf32, #tpu.memory_space<vmem>> -> memref<32x768xf32, #tpu.memory_space<vmem>>
    %dma_wait3A_507 = arith.constant 0 : i32
    %dma_wait3A_508 = arith.constant 0 : i32
    %dma_wait3A_509 = tpu.memref_slice %arg4[%dma_wait3A_507, %dma_wait3A_508] : memref<8192x768xf32, #tpu.memory_space<hbm>> -> memref<32x768xf32, #tpu.memory_space<hbm>>
    %dma_wait3A_510 = tpu.memref_slice %arg8[%dma_wait3A_502] : memref<4x!tpu.dma_semaphore, #tpu.memory_space<semaphore_mem>> -> memref<1x!tpu.dma_semaphore, #tpu.memory_space<semaphore_mem>>
    %dma_wait3A_511 = tpu.memref_squeeze %dma_wait3A_510 : memref<1x!tpu.dma_semaphore, #tpu.memory_space<semaphore_mem>> -> memref<!tpu.dma_semaphore, #tpu.memory_space<semaphore_mem>>
    %dma_wait3A_512 = arith.constant 0 : i32
    %dma_wait3A_513 = arith.constant 0 : i32
    %dma_wait3A_514 = tpu.memref_slice %arg4[%dma_wait3A_512, %dma_wait3A_513] : memref<8192x768xf32, #tpu.memory_space<hbm>> -> memref<32x768xf32, #tpu.memory_space<hbm>>
    %dma_wait3A_515 = arith.constant 0 : i32
    %dma_wait3A_516 = arith.constant 0 : i32
    %dma_wait3A_517 = tpu.memref_slice %arg6[%dma_wait3A_501, %dma_wait3A_515, %dma_wait3A_516] : memref<4x32x768xf32, #tpu.memory_space<vmem>> -> memref<1x32x768xf32, #tpu.memory_space<vmem>>
    %dma_wait3A_518 = tpu.memref_squeeze %dma_wait3A_517 : memref<1x32x768xf32, #tpu.memory_space<vmem>> -> memref<32x768xf32, #tpu.memory_space<vmem>>
    tpu.wait_dma2 semaphore(%dma_wait3A_511 : memref<!tpu.dma_semaphore, #tpu.memory_space<semaphore_mem>>) src(%dma_wait3A_518 : memref<32x768xf32, #tpu.memory_space<vmem>>) dst(%dma_wait3A_514 : memref<32x768xf32, #tpu.memory_space<hbm>>)
    %dma_wait3A_519 = arith.constant 3 : i32
    %dma_wait3A_520 = arith.constant 3 : i32
    %dma_wait3A_521 = arith.constant 0 : i32
    %dma_wait3A_522 = arith.constant 0 : i32
    %dma_wait3A_523 = tpu.memref_slice %arg6[%dma_wait3A_519, %dma_wait3A_521, %dma_wait3A_522] : memref<4x32x768xf32, #tpu.memory_space<vmem>> -> memref<1x32x768xf32, #tpu.memory_space<vmem>>
    %dma_wait3A_524 = tpu.memref_squeeze %dma_wait3A_523 : memref<1x32x768xf32, #tpu.memory_space<vmem>> -> memref<32x768xf32, #tpu.memory_space<vmem>>
    %dma_wait3A_525 = arith.constant 0 : i32
    %dma_wait3A_526 = arith.constant 0 : i32
    %dma_wait3A_527 = tpu.memref_slice %arg4[%dma_wait3A_525, %dma_wait3A_526] : memref<8192x768xf32, #tpu.memory_space<hbm>> -> memref<32x768xf32, #tpu.memory_space<hbm>>
    %dma_wait3A_528 = tpu.memref_slice %arg8[%dma_wait3A_520] : memref<4x!tpu.dma_semaphore, #tpu.memory_space<semaphore_mem>> -> memref<1x!tpu.dma_semaphore, #tpu.memory_space<semaphore_mem>>
    %dma_wait3A_529 = tpu.memref_squeeze %dma_wait3A_528 : memref<1x!tpu.dma_semaphore, #tpu.memory_space<semaphore_mem>> -> memref<!tpu.dma_semaphore, #tpu.memory_space<semaphore_mem>>
    %dma_wait3A_530 = arith.constant 0 : i32
    %dma_wait3A_531 = arith.constant 0 : i32
    %dma_wait3A_532 = tpu.memref_slice %arg4[%dma_wait3A_530, %dma_wait3A_531] : memref<8192x768xf32, #tpu.memory_space<hbm>> -> memref<32x768xf32, #tpu.memory_space<hbm>>
    %dma_wait3A_533 = arith.constant 0 : i32
    %dma_wait3A_534 = arith.constant 0 : i32
    %dma_wait3A_535 = tpu.memref_slice %arg6[%dma_wait3A_519, %dma_wait3A_533, %dma_wait3A_534] : memref<4x32x768xf32, #tpu.memory_space<vmem>> -> memref<1x32x768xf32, #tpu.memory_space<vmem>>
    %dma_wait3A_536 = tpu.memref_squeeze %dma_wait3A_535 : memref<1x32x768xf32, #tpu.memory_space<vmem>> -> memref<32x768xf32, #tpu.memory_space<vmem>>
    tpu.wait_dma2 semaphore(%dma_wait3A_529 : memref<!tpu.dma_semaphore, #tpu.memory_space<semaphore_mem>>) src(%dma_wait3A_536 : memref<32x768xf32, #tpu.memory_space<vmem>>) dst(%dma_wait3A_532 : memref<32x768xf32, #tpu.memory_space<hbm>>)
    return
  }
}

module attributes {stable_mosaic.version = 14 : i64} {
  func.func @_tc_ln_body(%arg0: i32, %arg1: i32, %arg2: memref<2048x768xf32, #tpu.memory_space<vmem>>, %arg3: memref<2048x768xf32, #tpu.memory_space<vmem>>, %arg4: memref<2048x1xf32, #tpu.memory_space<vmem>>, %arg5: memref<2x768xf32, #tpu.memory_space<vmem>>, %arg6: memref<1x768xf32, #tpu.memory_space<vmem>>, %arg7: memref<1x768xf32, #tpu.memory_space<vmem>>, %arg8: memref<2048x768xf32, #tpu.memory_space<vmem>>) attributes {dimension_semantics = [#tpu.dimension_semantics<parallel>, #tpu.dimension_semantics<parallel>], iteration_bounds = array<i64: 1, 4>, scalar_prefetch = 0 : i64, scratch_operands = 0 : i64, tpu.core_type = #tpu.core_type<tc>, window_params = [{transform_indices = @transform_0, window_bounds = array<i64: 2048, 768>}, {transform_indices = @transform_1, window_bounds = array<i64: 2048, 768>}, {transform_indices = @transform_2, window_bounds = array<i64: 2048, 1>}, {pipeline_mode = #tpu.pipeline_mode<synchronous>, transform_indices = @transform_3, window_bounds = array<i64: 2, 768>}, {pipeline_mode = #tpu.pipeline_mode<synchronous>, transform_indices = @transform_4, window_bounds = array<i64: 1, 768>}, {pipeline_mode = #tpu.pipeline_mode<synchronous>, transform_indices = @transform_5, window_bounds = array<i64: 1, 768>}, {transform_indices = @transform_6, window_bounds = array<i64: 2048, 768>}]} {
    %get3A = arith.constant 0 : index
    %get3A_0 = arith.constant 0 : index
    %get3A_1 = vector.load %arg5[%get3A, %get3A_0] : memref<2x768xf32, #tpu.memory_space<vmem>>, vector<1x768xf32>
    %get3A_2 = arith.constant 1 : index
    %get3A_3 = arith.constant 0 : index
    %get3A_4 = vector.load %arg5[%get3A_2, %get3A_3] : memref<2x768xf32, #tpu.memory_space<vmem>>, vector<1x768xf32>
    %sub3A = arith.subf %get3A_4, %get3A_1 : vector<1x768xf32>
    %get3A_5 = arith.constant 0 : index
    %get3A_6 = arith.constant 0 : index
    %get3A_7 = vector.load %arg2[%get3A_5, %get3A_6] : memref<2048x768xf32, #tpu.memory_space<vmem>>, vector<2048x768xf32>
    %get3A_8 = arith.constant 0 : index
    %get3A_9 = arith.constant 0 : index
    %get3A_10 = vector.load %arg3[%get3A_8, %get3A_9] : memref<2048x768xf32, #tpu.memory_space<vmem>>, vector<2048x768xf32>
    %add3A = arith.addf %get3A_7, %get3A_10 : vector<2048x768xf32>
    %get3A_11 = arith.constant 0 : index
    %get3A_12 = arith.constant 0 : index
    %get3A_13 = vector.load %arg4[%get3A_11, %get3A_12] : memref<2048x1xf32, #tpu.memory_space<vmem>>, vector<2048x1xf32>
    %mul3A = vector.broadcast %get3A_13 : vector<2048x1xf32> to vector<2048x768xf32>
    %mul3A_14 = vector.broadcast %sub3A : vector<1x768xf32> to vector<2048x768xf32>
    %mul3A_15 = arith.mulf %mul3A, %mul3A_14 : vector<2048x768xf32>
    %add3A_16 = vector.broadcast %get3A_1 : vector<1x768xf32> to vector<2048x768xf32>
    %add3A_17 = arith.addf %add3A_16, %mul3A_15 : vector<2048x768xf32>
    %add3A_18 = arith.addf %add3A, %add3A_17 : vector<2048x768xf32>
    %reduce_sum3A = arith.constant dense<0.000000e+00> : vector<2048xf32>
    %reduce_sum3A_19 = vector.multi_reduction <add>, %add3A_18, %reduce_sum3A [1] : vector<2048x768xf32> to vector<2048xf32>
    %broadcast_in_dim3A = vector.shape_cast %reduce_sum3A_19 : vector<2048xf32> to vector<2048x1xf32>
    %div3A = arith.constant 7.680000e+02 : f32
    %div3A_20 = vector.broadcast %div3A : f32 to vector<2048x1xf32>
    %div3A_21 = arith.divf %broadcast_in_dim3A, %div3A_20 : vector<2048x1xf32>
    %sub3A_22 = vector.broadcast %div3A_21 : vector<2048x1xf32> to vector<2048x768xf32>
    %sub3A_23 = arith.subf %add3A_18, %sub3A_22 : vector<2048x768xf32>
    %mul3A_24 = arith.mulf %sub3A_23, %sub3A_23 : vector<2048x768xf32>
    %reduce_sum3A_25 = arith.constant dense<0.000000e+00> : vector<2048xf32>
    %reduce_sum3A_26 = vector.multi_reduction <add>, %mul3A_24, %reduce_sum3A_25 [1] : vector<2048x768xf32> to vector<2048xf32>
    %broadcast_in_dim3A_27 = vector.shape_cast %reduce_sum3A_26 : vector<2048xf32> to vector<2048x1xf32>
    %div3A_28 = arith.constant 7.680000e+02 : f32
    %div3A_29 = vector.broadcast %div3A_28 : f32 to vector<2048x1xf32>
    %div3A_30 = arith.divf %broadcast_in_dim3A_27, %div3A_29 : vector<2048x1xf32>
    %add3A_31 = arith.constant 9.99999996E-13 : f32
    %add3A_32 = vector.broadcast %add3A_31 : f32 to vector<2048x1xf32>
    %add3A_33 = arith.addf %div3A_30, %add3A_32 : vector<2048x1xf32>
    %rsqrt3A = math.rsqrt %add3A_33 : vector<2048x1xf32>
    %mul3A_34 = vector.broadcast %rsqrt3A : vector<2048x1xf32> to vector<2048x768xf32>
    %mul3A_35 = arith.mulf %sub3A_23, %mul3A_34 : vector<2048x768xf32>
    %get3A_36 = arith.constant 0 : index
    %get3A_37 = arith.constant 0 : index
    %get3A_38 = vector.load %arg6[%get3A_36, %get3A_37] : memref<1x768xf32, #tpu.memory_space<vmem>>, vector<1x768xf32>
    %mul3A_39 = vector.broadcast %get3A_38 : vector<1x768xf32> to vector<2048x768xf32>
    %mul3A_40 = arith.mulf %mul3A_35, %mul3A_39 : vector<2048x768xf32>
    %get3A_41 = arith.constant 0 : index
    %get3A_42 = arith.constant 0 : index
    %get3A_43 = vector.load %arg7[%get3A_41, %get3A_42] : memref<1x768xf32, #tpu.memory_space<vmem>>, vector<1x768xf32>
    %add3A_44 = vector.broadcast %get3A_43 : vector<1x768xf32> to vector<2048x768xf32>
    %add3A_45 = arith.addf %mul3A_40, %add3A_44 : vector<2048x768xf32>
    %swap3A = arith.constant 0 : index
    %swap3A_46 = arith.constant 0 : index
    %swap3A_47 = vector.load %arg8[%swap3A, %swap3A_46] : memref<2048x768xf32, #tpu.memory_space<vmem>>, vector<2048x768xf32>
    tpu.vector_store %arg8[%swap3A, %swap3A_46], %add3A_45 {strides = array<i32>} : memref<2048x768xf32, #tpu.memory_space<vmem>>, vector<2048x768xf32>,
    return
  }
  func.func @transform_0(%arg0: i32, %arg1: i32) -> (i32, i32) {
    %mul3A = arith.constant 1 : i32
    %mul3A_0 = arith.muli %arg1, %mul3A : i32
    %add3A = arith.addi %mul3A_0, %arg0 : i32
    %c0_i32 = arith.constant 0 : i32
    %c0_i32_1 = arith.constant 0 : i32
    return %add3A, %c0_i32 : i32, i32
  }
  func.func @transform_1(%arg0: i32, %arg1: i32) -> (i32, i32) {
    %c0_i32 = arith.constant 0 : i32
    %c0_i32_0 = arith.constant 0 : i32
    return %arg0, %c0_i32 : i32, i32
  }
  func.func @transform_2(%arg0: i32, %arg1: i32) -> (i32, i32) {
    %mul3A = arith.constant 1 : i32
    %mul3A_0 = arith.muli %arg1, %mul3A : i32
    %add3A = arith.addi %mul3A_0, %arg0 : i32
    %c0_i32 = arith.constant 0 : i32
    %c0_i32_1 = arith.constant 0 : i32
    return %add3A, %c0_i32 : i32, i32
  }
  func.func @transform_3(%arg0: i32, %arg1: i32) -> (i32, i32) {
    %c0_i32 = arith.constant 0 : i32
    %c0_i32_0 = arith.constant 0 : i32
    %c0_i32_1 = arith.constant 0 : i32
    return %c0_i32, %c0_i32_0 : i32, i32
  }
  func.func @transform_4(%arg0: i32, %arg1: i32) -> (i32, i32) {
    %c0_i32 = arith.constant 0 : i32
    %c0_i32_0 = arith.constant 0 : i32
    %c0_i32_1 = arith.constant 0 : i32
    return %c0_i32, %c0_i32_0 : i32, i32
  }
  func.func @transform_5(%arg0: i32, %arg1: i32) -> (i32, i32) {
    %c0_i32 = arith.constant 0 : i32
    %c0_i32_0 = arith.constant 0 : i32
    %c0_i32_1 = arith.constant 0 : i32
    return %c0_i32, %c0_i32_0 : i32, i32
  }
  func.func @transform_6(%arg0: i32, %arg1: i32) -> (i32, i32) {
    %mul3A = arith.constant 1 : i32
    %mul3A_0 = arith.muli %arg1, %mul3A : i32
    %add3A = arith.addi %mul3A_0, %arg0 : i32
    %c0_i32 = arith.constant 0 : i32
    %c0_i32_1 = arith.constant 0 : i32
    return %add3A, %c0_i32 : i32, i32
  }
}

</mosaic_0001>

<sc_bundles>
// kernel: kernel.4.cloned.1.call-start
scs
__scs_entry_jumppad:
0x0: {  	(pc) =	sbr.rel $0x88, $3  }
0x1: {  	(tag) =	ssettag $0x0;
	lr =	simm.s32 $0x1  }
0x2: {  	[smem:$0x3F9A] =	sst lr;
	_ =	strace $0xD0000000  }
0x3: {  	_ = 	snop  }
0x4: {  	_ = 	snop  }
0x5: {  	_ = 	snop  }
0x6: {  	_ = 	snop  }
0x7: {  	_ = 	snop  }
__scs_overlays_trampoline_lowered:
0x8: {  	[smem:$0x3FA9] =	sst s0  }
0x9: {  	[smem:$0x3FAA] =	sst s1  }
0xa: {  	[smem:$0x3FAB] =	sst s2  }
0xb: {  	[smem:$0x3FAC] =	sst s3  }
0xc: {  	[smem:$0x3FAD] =	sst s4  }
0xd: {  	[smem:$0x3FAE] =	sst s5  }
0xe: {  	[smem:$0x3FAF] =	sst s6  }
0xf: {  	[smem:$0x3FB0] =	sst s7  }
0x10: {  	[smem:$0x3FB1] =	sst s8  }
0x11: {  	[smem:$0x3FB2] =	sst s9;
	s0 =	simm.s32 @!p0 $0x0  }
0x12: {  	s1 =	sld [smem:$0x3F98];
	s0 =	simm.s32 @p0 $0x1  }
0x13: {  	[smem:$0x3FB3] =	sst s0;
	s0 =	simm.s32 @!p1 $0x0  }
0x14: {  	s2 =	sld [smem:$0x3F97];
	s0 =	simm.s32 @p1 $0x1  }
0x15: {  	[smem:$0x3FB4] =	sst s0;
	s0 =	simm.s32 @!p2 $0x0  }
0x16: {  	s3 =	sld [smem:$0x3FDB];
	s0 =	simm.s32 @p2 $0x1  }
0x17: {  	s4 =	simm.s32 $0x1BF5;
	[smem:$0x3FB6] =	sst s0  }
0x18: {  	s0 =	sld [smem:$0x3F99];
	_ =	swait.ge [sflag:s4], $0x0  }
0x19: {  	s7 =	sld [smem:$0x3F9A]  }
0x1a: {  	s8 =	sadd.s32 $0xFFFFE003, lr  }
0x1b: {  	s9 =	sadd.s32 $0xFFFFFEF7, lr;
	s5 =	simm.s32 $0xFFFFFFFF;
	p2 =	slt.u32 s8, $0xFFFFF086  }
0x1c: {  	p1 =	slt.u32 s9, $0xF7A;
	s5 =	simm.s32 @!p2 $0x0  }
0x1d: {  	s5 =	simm.s32 @p1 $0x1;
	p0 =	seq.s32 s7, s2  }
0x1e: {  	s7 =	smul.u32 @!p0 $0xF7A, s2;
	p2 =	seq.s32 @!p0 s5, $0x0  }
0x1f: {  	s9 =	smul.u32 $0xF7A, s1;
	s8 =	simm.s32 @!p0 $0x1BF5;
	p2 =	por !p2, p0  }
0x20: {  	[sflag:s8] =	ssyncset.s32 @!p0 $0xFFFFF086;
	s6 =	sadd.s32 @!p0 s3, s7;
	s7 =	simm.s32 @!p0 $0x108  }
0x21: {  	s3 =	sadd.s32 s3, s9;
	s6 =	sadd.s32 @!p0 $0x88, s6;
	s7 =	simm.s32 @p2 $0x1082  }
0x22: {  	[simem:s7], [sflag:s8] =	dma.local @!p0 [hbm:s6], $0xF7A  }
0x23: {  	s9 =	sor.u32 $0xD0000000, s2;
	s6 =	simm.s32 $0x108;
	_ =	swait.ge @!p0 [sflag:s8], $0x0  }
0x24: {  	s3 =	sadd.s32 $0x88, s3;
	s6 =	simm.s32 @!p1 $0x1082;
	[sflag:s4] =	ssyncset.s32 $0xFFFFF086  }
0x25: {  	[simem:s6], [sflag:s4] =	dma.local [hbm:s3], $0xF7A  }
0x26: {  	[smem:$0x3F9A] =	sst s1;
	(tag) =	ssettag s2;
	_ =	strace s9  }
0x27: {  	s1 =	sld [smem:$0x3FAA]  }
0x28: {  	s2 =	sld [smem:$0x3FAB]  }
0x29: {  	s4 =	sld [smem:$0x3FAD]  }
0x2a: {  	p0 =	seq.s32 s5, $0x0;
	s5 =	sld [smem:$0x3FAE]  }
0x2b: {  	s6 =	sld [smem:$0x3FAF]  }
0x2c: {  	s7 =	sld [smem:$0x3FB0]  }
0x2d: {  	s3 =	simm.s32 $0x108;
	s8 =	sld [smem:$0x3FB1]  }
0x2e: {  	s3 =	simm.s32 @!p0 $0x1082;
	s9 =	sld [smem:$0x3FB2]  }
0x2f: {  	lr =	sadd.s32 s0, s3;
	s0 =	sld [smem:$0x3FA9]  }
0x30: {  	s3 =	sld [smem:$0x3FAC]  }
0x31: {  	[smem:$0x3FB5] =	sst s10  }
0x32: {  	s10 =	sld [smem:$0x3FB3];
	_ =	sdelay $0x3  }
0x33: {  	p0 =	seq.s32 s10, $0x1;
	s10 =	sld [smem:$0x3FB5];
	_ =	sdelay $0x3  }
0x34: {  	[smem:$0x3FB5] =	sst s10  }
0x35: {  	s10 =	sld [smem:$0x3FB4];
	_ =	sdelay $0x3  }
0x36: {  	p1 =	seq.s32 s10, $0x1;
	s10 =	sld [smem:$0x3FB5];
	_ =	sdelay $0x3  }
0x37: {  	[smem:$0x3FB5] =	sst s10  }
0x38: {  	s10 =	sld [smem:$0x3FB6]  }
0x39: {  	_ = 	snop;
	(pc) =	sbr.ind lr, $3  }
0x3a: {  	_ = 	snop  }
0x3b: {  	_ = 	snop  }
0x3c: {  	p2 =	seq.s32 s10, $0x1;
	s10 =	sld [smem:$0x3FB5]  }
0x3d: {  	_ =	shalt  }
0x3e: {  	_ =	shalt  }
0x3f: {  	_ =	shalt  }
0x40: {  	_ =	shalt  }
0x41: {  	_ =	shalt  }
0x42: {  	_ =	shalt  }
0x43: {  	_ =	shalt  }
0x44: {  	_ =	shalt  }
0x45: {  	_ =	shalt  }
0x46: {  	_ =	shalt  }
0x47: {  	_ =	shalt  }
0x48: {  	_ =	shalt  }
0x49: {  	_ =	shalt  }
0x4a: {  	_ =	shalt  }
0x4b: {  	_ =	shalt  }
0x4c: {  	_ =	shalt  }
0x4d: {  	_ =	shalt  }
0x4e: {  	_ =	shalt  }
0x4f: {  	_ =	shalt  }
0x50: {  	_ =	shalt  }
0x51: {  	_ =	shalt  }
0x52: {  	_ =	shalt  }
0x53: {  	_ =	shalt  }
0x54: {  	_ =	shalt  }
0x55: {  	_ =	shalt  }
0x56: {  	_ =	shalt  }
0x57: {  	_ =	shalt  }
0x58: {  	_ =	shalt  }
0x59: {  	_ =	shalt  }
0x5a: {  	_ =	shalt  }
0x5b: {  	_ =	shalt  }
0x5c: {  	_ =	shalt  }
0x5d: {  	_ =	shalt  }
0x5e: {  	_ =	shalt  }
0x5f: {  	_ =	shalt  }
0x60: {  	_ =	shalt  }
0x61: {  	_ =	shalt  }
0x62: {  	_ =	shalt  }
0x63: {  	_ =	shalt  }
0x64: {  	_ =	shalt  }
0x65: {  	_ =	shalt  }
0x66: {  	_ =	shalt  }
0x67: {  	_ =	shalt  }
0x68: {  	_ =	shalt  }
0x69: {  	_ =	shalt  }
0x6a: {  	_ =	shalt  }
0x6b: {  	_ =	shalt  }
0x6c: {  	_ =	shalt  }
0x6d: {  	_ =	shalt  }
0x6e: {  	_ =	shalt  }
0x6f: {  	_ =	shalt  }
0x70: {  	_ =	shalt  }
0x71: {  	_ =	shalt  }
0x72: {  	_ =	shalt  }
0x73: {  	_ =	shalt  }
0x74: {  	_ =	shalt  }
0x75: {  	_ =	shalt  }
0x76: {  	_ =	shalt  }
0x77: {  	_ =	shalt  }
0x78: {  	_ =	shalt  }
0x79: {  	_ =	shalt  }
0x7a: {  	_ =	shalt  }
0x7b: {  	_ =	shalt  }
0x7c: {  	_ =	shalt  }
0x7d: {  	_ =	shalt  }
0x7e: {  	_ =	shalt  }
0x7f: {  	_ =	shalt  }
0x80: {  	_ =	shalt  }
0x81: {  	_ =	shalt  }
0x82: {  	_ =	shalt  }
0x83: {  	_ =	shalt  }
0x84: {  	_ =	shalt  }
0x85: {  	_ =	shalt  }
0x86: {  	_ =	shalt  }
0x87: {  	_ =	shalt  }
.Lfunc_end0:
.L_simem_size_0:
called_computation_lowered:
.L_overlay_start_0:
0x88: {  	s2 =	sld [smem:$0x3FD9]  }
0x89: {  	s3 =	sld [smem:$0x3FFE];
	_ =	sdelay $0x1  }
0x8a: {  	s1 =	srdreg.scid  }
0x8b: {  	s0 =	sand.u32 $0x1, s1  }
0x8c: {  	s17 =	sshll.u32 s0, $0xA;
	s2 =	sadd.s32 s3, s2  }
0x8d: {  	s2 =	sadd.s32 s2, s17  }
0x8e: {  	[smem:$0x3FC1] =	sst s2  }
0x8f: {  	_ = 	snop  }
0x90: {  	s2 =	sld [smem:$0x3FC7]  }
0x91: {  	s18 =	sld [smem:$0x3FD0];
	(tm) =	ssettm $0x1  }
0x92: {  	s4 =	sld [smem:$0x3FFB];
	_ =	sdelay $0x3  }
0x93: {  	_ =	strace s4  }
0x94: {  	s4 =	sld [smem:$0x3FFC];
	_ =	sdelay $0x3  }
0x95: {  	_ =	strace s4  }
0x96: {  	s4 =	sld [smem:$0x3FFD];
	_ =	sdelay $0x3  }
0x97: {  	_ =	strace s4  }
0x98: {  	_ =	strace $0x8FFFFFFF  }
0x99: {  	s19 =	sld [smem:$0x3FDB];
	_ =	sdelay $0x1  }
0x9a: {  	s5 =	simm.s32 $_scs_section_size  }
0x9b: {  	s6 =	simm.s32 $_size__tile_overlayer_lowered;
	s7 =	simm.s32 $_tile_overlayer_lowered  }
0x9c: {  	s22 =	simm.s32 $0x1BFF;
	s21 =	sshll.u32 s7, $0x1;
	s4 =	sadd.s32 s5, s19  }
0x9d: {  	s8 =	simm.s32 $0x0;
	s20 =	sshll.u32 s6, $0x1;
	s6 =	sadd.s32 s21, s4  }
0x9e: {  	[timem:s8], [sflag:s22] =	dma.local [hbm:s6], s20  }
0x9f: {  	_ =	swait.ge [sflag:s22], s20  }
0xa0: {  	s5 =	ssub.s32 $0x0, s20;
	[sflag:s22] =	ssyncset.done $0x0  }
0xa1: {  	[sflag:s22] =	ssyncadd.s32 s5;
	_ =	sdelay $0x1  }
0xa2: {  	s23 =	simm.s32 $0x1B8B  }
0xa3: {  	_ =	swait.ge [sflag:s23], $0x1  }
0xa4: {  	[sflag:s23] =	ssyncset.done $0x0  }
0xa5: {  	s25 =	simm.s32 $0x1B8E;
	s24 =	sld [smem:$0x3FFE];
	[sflag:s23] =	ssyncadd.s32 $0xFFFFFFFF  }
0xa6: {  	s26 =	simm.s32 $execute0_lowered;
	[smem:$0x3FD2] =	sst s25  }
0xa7: {  	s6 =	sshll.u32 s26, $0x1;
	_ =	strace $0x80000046;
	[dreg:$0x1] =	wrdreg $0xFFFFFFFF  }
0xa8: {  	s28 =	simm.s32 $_size_execute0_lowered;
	s4 =	sadd.s32 s4, s6;
	[dreg:$0x0] =	wrdreg $0x0  }
0xa9: {  	s6 =	sshll.u32 s28, $0x1;
	[dreg:$0x2] =	wrdreg s4  }
0xaa: {  	[dreg:$0x3] =	wrdreg s6  }
0xab: {  	[dreg:$0x4] =	wrdreg $0xC0  }
0xac: {  	_ =	task [dreg:s8], $0x5FFFF  }
0xad: {  	[dreg:$0x1] =	wrdreg $0xFFFFFFFF  }
0xae: {  	[dreg:$0x0] =	wrdreg $0x60  }
0xaf: {  	[dreg:$0x2] =	wrdreg s18  }
0xb0: {  	[dreg:$0x3] =	wrdreg s2  }
0xb1: {  	[dreg:$0x4] =	wrdreg s24  }
0xb2: {  	[dreg:$0x5] =	wrdreg $0x9  }
0xb3: {  	_ =	task.clear_ibuf [dreg:s8], $0x6FFFF;
	_ =	strace $0x90000046  }
0xb4: {  	s29 =	simm.s32 $0x9;
	_ =	strace $0x80000048  }
0xb5: {  	_ =	swait.ge [sflag:s29], $0x1  }
0xb6: {  	[sflag:s29] =	ssyncadd.s32 $0xFFFFFFFF  }
0xb7: {  	_ =	strace $0x90000048  }
0xb8: {  	_ =	sfence  }
0xb9: {  	s30 =	sld [smem:$0x0];
	_ =	sdelay $0x2  }
0xba: {  	s31 =	sshll.u32 s1, $0xD;
	s1 =	sshrl.u32 s1, $0x2  }
0xbb: {  	s3 =	sand.u32 $0x4000, s31;
	s1 =	sadd.s32 s1, s30  }
0xbc: {  	s0 =	sor.u32 s3, s0;
	s1 =	sshll.u32 s1, $0x11  }
0xbd: {  	s0 =	sor.u32 s1, s0  }
0xbe: {  	s0 =	sadd.s32 $0x8F2B, s0  }
0xbf: {  	[sflag:s0] =	ssyncadd.remote.s32 $0x1  }
0xc0: {  	_ =	sfence.sel $0xFFFF  }
0xc1: {  	[dreg:$0x0] =	wrdreg $0xFFFFFFFF;
	(pc) =	sbr.abs _section_cstart, $3  }
0xc2: {  	[dreg:$0x1] =	wrdreg $0xFFFFFFFF  }
0xc3: {  	_ =	task.clear_ibuf [dreg:s8], $0x2FFFF;
	_ =	strace $0x9FFFFFFF  }
0xc4: {  	(tm) =	ssettm $0x7FFFFFFF  }
0xc5: {  	_ =	shalt  }
tec
execute0_lowered:
.L_overlay_start_1:
0x0: {  	(tag) =	ssettag $0x1  }
0x1: {  	s1 =	rddreg [dreg:$0x0]  }
0x2: {  	s0 =	srdreg.scid;
	s2 =	rddreg [dreg:$0x1]  }
0x3: {  	s3 =	stileid.u32;
	s5 =	rddreg [dreg:$0x2];
	s28 =	simm.s32 $0x3100  }
0x4: {  	s29 =	simm.s32 $0x3900;
	s30 =	simm.s32 $0x4100;
	s31 =	simm.s32 $0x4900  }
0x5: {  	s16 =	simm.s32 $0xB900;
	s17 =	simm.s32 $0xC100;
	s0 =	sand.u32 $0x1, s0  }
0x6: {  	s3 =	sshll.u32 s3, $0x6;
	s5 =	sadd.s32 $0xE00, s5;
	s4 =	sshll.u32 s0, $0x5  }
0x7: {  	s0 =	ssub.s32 $0x2, s0;
	s4 =	sor.u32 s4, s3;
	s3 =	simm.s32 $0x0  }
0x8: {  	s23 =	sshrl.u32 s0, $0x1;
	s6 =	smul.u32 $0x300, s4;
	[smem:$0x7FF] =	sst s3  }
0x9: {  	s7 =	smul.u32 $0x1800, s4;
	s1 =	sadd.s32 s1, s4;
	s0 =	ssub.s32 s0, s23  }
0xa: {  	s23 =	simm.s32 $0x1100;
	_ =	strace $0x80000047;
	[dreg:$0x4] =	wrdreg s1  }
0xb: {  	s10 =	smax.u32 s0, $0x1;
	s1 =	simm.s32 $0x5;
	s6 =	sadd.s32 s5, s6  }
0xc: {  	s19 =	sshrl.u32 s7, $0x3;
	s18 =	sadd.s32 $0xC00, s6;
	[dreg:$0xc] =	wrdreg s6  }
0xd: {  	s20 =	sadd.s32 $0x1800, s6;
	s4 =	sadd.s32 s5, s19;
	[dreg:$0x5] =	wrdreg s18  }
0xe: {  	s5 =	sadd.s32 $0x100, s2;
	[dreg:$0x6] =	wrdreg s20;
	s21 =	sadd.s32 $0x2400, s4  }
0xf: {  	s6 =	sadd.s32 $0x200, s2;
	s22 =	sadd.s32 $0x3000, s4;
	[dreg:$0x7] =	wrdreg s21  }
0x10: {  	s24 =	sadd.s32 $0x3C00, s4;
	s25 =	sadd.s32 $0x4800, s4;
	[dreg:$0x8] =	wrdreg s22  }
0x11: {  	s26 =	sadd.s32 $0x5400, s4;
	s20 =	simm.s32 $0x900;
	[dreg:$0x9] =	wrdreg s24  }
0x12: {  	v2 =	vlaneseq.u32;
	s18 =	simm.s32 $0xA900;
	s4 =	simm.s32 $0x12100;
	[dreg:$0xa] =	wrdreg s25  }
0x13: {  	vm0 =	vmmov $0xffff;
	v1 =	vshrl.u32 v2, $0x3;
	[dreg:$0xb] =	wrdreg s26;
	s24 =	simm.s32 $0x1900;
	s25 =	simm.s32 $0x2100  }
0x14: {  	v0 =	vand.u32 $0x7, v2;
	v2 =	vor.u32 $0x8, v2;
	v1 =	vmul.u32 $0x8, v1;
	s26 =	simm.s32 $0x2900;
	s22 =	simm.s32 $0x8100;
	s21 =	simm.s32 $0x9100  }
.LBB2_1:
0x15: {  	s19 =	rddreg [dreg:$0x4];
	s0 =	simm.s32 $0x9  }
0x16: {  	[tilespmem:s3], [sflag:$0x9] =	stream.linear.gather [hbm4b:s19+s3], $0x100, $0x38;
	[tilespmem:$0x18100] =	vst v63  }
0x17: {  	_ =	swait.ge [sflag:s0], $0x100  }
0x18: {  	[sflag:s0] =	ssyncset.done $0x0  }
0x19: {  	[sflag:s0] =	ssyncadd.s32 $0xFFFFFF00  }
0x1a: {  	v3 =	vld [tilespmem:$0x0];
	_ =	sdelay $0x4  }
0x1b: {  	v4 =	vshrl.u32 v3, $0x3  }
0x1c: {  	v4 =	vmul.u32 $0x30, v4  }
0x1d: {  	v3 =	vand.u32 $0x7, v3  }
0x1e: {  	v3 =	vor.u32 v3, v4  }
0x1f: {  	v4 =	vperm.xlane v3, v0;
	_ =	sdelay $0x1  }
0x20: {  	v4 =	vadd.s32 v1, v4;
	_ =	sdelay $0x3  }
0x21: {  	s12 =	simm.s32 $0x100;
	v3 =	vperm.xlane v3, v2  }
0x22: {  	[tilespmem:s12], [sflag:$0x1] =	stream.indirect_vreg.gather [hbm4b:s2+s3], $0x80, v4, vm0, $0xb8;
	[tilespmem:$0x18100] =	vst v63  }
0x23: {  	v3 =	vadd.s32 v1, v3  }
0x24: {  	[tilespmem:s20], [sflag:$0x1] =	stream.indirect_vreg.gather [hbm4b:s5+s3], $0x80, v4, vm0, $0xb8;
	[tilespmem:$0x18100] =	vst v63  }
0x25: {  	_ = 	snop  }
0x26: {  	[tilespmem:s23], [sflag:$0x1] =	stream.indirect_vreg.gather [hbm4b:s6+s3], $0x80, v4, vm0, $0xb8;
	[tilespmem:$0x18100] =	vst v63  }
0x27: {  	_ = 	snop  }
0x28: {  	[tilespmem:s24], [sflag:$0x1] =	stream.indirect_vreg.gather [hbm4b:s2+s3], $0x80, v3, vm0, $0xb8;
	[tilespmem:$0x18100] =	vst v63  }
0x29: {  	_ = 	snop  }
0x2a: {  	[tilespmem:s25], [sflag:$0x1] =	stream.indirect_vreg.gather [hbm4b:s5+s3], $0x80, v3, vm0, $0xb8;
	[tilespmem:$0x18100] =	vst v63  }
0x2b: {  	_ = 	snop  }
0x2c: {  	[tilespmem:s26], [sflag:$0x1] =	stream.indirect_vreg.gather [hbm4b:s6+s3], $0x80, v3, vm0, $0xb8;
	[tilespmem:$0x18100] =	vst v63  }
0x2d: {  	v3 =	vld [tilespmem:$0x10];
	_ =	sdelay $0x4  }
0x2e: {  	v49 =	vshrl.u32 v3, $0x3  }
0x2f: {  	v4 =	vmul.u32 $0x30, v49  }
0x30: {  	v3 =	vand.u32 $0x7, v3  }
0x31: {  	v3 =	vor.u32 v3, v4  }
0x32: {  	v4 =	vperm.xlane v3, v0;
	_ =	sdelay $0x1  }
0x33: {  	v4 =	vadd.s32 v1, v4;
	_ =	sdelay $0x3  }
0x34: {  	v3 =	vperm.xlane v3, v2  }
0x35: {  	[tilespmem:s28], [sflag:$0x1] =	stream.indirect_vreg.gather [hbm4b:s2+s3], $0x80, v4, vm0, $0xb8;
	[tilespmem:$0x18100] =	vst v63  }
0x36: {  	v3 =	vadd.s32 v1, v3  }
0x37: {  	[tilespmem:s29], [sflag:$0x1] =	stream.indirect_vreg.gather [hbm4b:s5+s3], $0x80, v4, vm0, $0xb8;
	[tilespmem:$0x18100] =	vst v63  }
0x38: {  	_ = 	snop  }
0x39: {  	[tilespmem:s30], [sflag:$0x1] =	stream.indirect_vreg.gather [hbm4b:s6+s3], $0x80, v4, vm0, $0xb8;
	[tilespmem:$0x18100] =	vst v63  }
0x3a: {  	_ = 	snop  }
0x3b: {  	[tilespmem:s31], [sflag:$0x1] =	stream.indirect_vreg.gather [hbm4b:s2+s3], $0x80, v3, vm0, $0xb8;
	[tilespmem:$0x18100] =	vst v63  }
0x3c: {  	s8 =	simm.s32 $0x5100  }
0x3d: {  	[tilespmem:s8], [sflag:$0x1] =	stream.indirect_vreg.gather [hbm4b:s5+s3], $0x80, v3, vm0, $0xb8;
	[tilespmem:$0x18100] =	vst v63  }
0x3e: {  	s9 =	simm.s32 $0x5900  }
0x3f: {  	[tilespmem:s9], [sflag:$0x1] =	stream.indirect_vreg.gather [hbm4b:s6+s3], $0x80, v3, vm0, $0xb8;
	[tilespmem:$0x18100] =	vst v63  }
0x40: {  	v3 =	vld [tilespmem:$0x20];
	_ =	sdelay $0x4  }
0x41: {  	v50 =	vshrl.u32 v3, $0x3  }
0x42: {  	v4 =	vmul.u32 $0x30, v50  }
0x43: {  	v3 =	vand.u32 $0x7, v3  }
0x44: {  	v3 =	vor.u32 v3, v4  }
0x45: {  	v4 =	vperm.xlane v3, v0;
	_ =	sdelay $0x1  }
0x46: {  	v4 =	vadd.s32 v1, v4;
	_ =	sdelay $0x3  }
0x47: {  	s13 =	simm.s32 $0x6100;
	v3 =	vperm.xlane v3, v2  }
0x48: {  	[tilespmem:s13], [sflag:$0x2] =	stream.indirect_vreg.gather [hbm4b:s2+s3], $0x80, v4, vm0, $0xb8;
	[tilespmem:$0x18100] =	vst v63  }
0x49: {  	s11 =	simm.s32 $0x6900;
	v3 =	vadd.s32 v1, v3  }
0x4a: {  	[tilespmem:s11], [sflag:$0x2] =	stream.indirect_vreg.gather [hbm4b:s5+s3], $0x80, v4, vm0, $0xb8;
	[tilespmem:$0x18100] =	vst v63  }
0x4b: {  	s14 =	simm.s32 $0x7100  }
0x4c: {  	[tilespmem:s14], [sflag:$0x2] =	stream.indirect_vreg.gather [hbm4b:s6+s3], $0x80, v4, vm0, $0xb8;
	[tilespmem:$0x18100] =	vst v63  }
0x4d: {  	s15 =	simm.s32 $0x7900  }
0x4e: {  	[tilespmem:s15], [sflag:$0x2] =	stream.indirect_vreg.gather [hbm4b:s2+s3], $0x80, v3, vm0, $0xb8;
	[tilespmem:$0x18100] =	vst v63  }
0x4f: {  	_ = 	snop  }
0x50: {  	[tilespmem:s22], [sflag:$0x2] =	stream.indirect_vreg.gather [hbm4b:s5+s3], $0x80, v3, vm0, $0xb8;
	[tilespmem:$0x18100] =	vst v63  }
0x51: {  	s12 =	simm.s32 $0x8900  }
0x52: {  	[tilespmem:s12], [sflag:$0x2] =	stream.indirect_vreg.gather [hbm4b:s6+s3], $0x80, v3, vm0, $0xb8;
	[tilespmem:$0x18100] =	vst v63  }
0x53: {  	v3 =	vld [tilespmem:$0x30];
	_ =	sdelay $0x4  }
0x54: {  	v51 =	vshrl.u32 v3, $0x3  }
0x55: {  	v4 =	vmul.u32 $0x30, v51  }
0x56: {  	v3 =	vand.u32 $0x7, v3  }
0x57: {  	v3 =	vor.u32 v3, v4  }
0x58: {  	v4 =	vperm.xlane v3, v0;
	_ =	sdelay $0x1  }
0x59: {  	v4 =	vadd.s32 v1, v4;
	_ =	sdelay $0x3  }
0x5a: {  	v3 =	vperm.xlane v3, v2  }
0x5b: {  	[tilespmem:s21], [sflag:$0x2] =	stream.indirect_vreg.gather [hbm4b:s2+s3], $0x80, v4, vm0, $0xb8;
	[tilespmem:$0x18100] =	vst v63  }
0x5c: {  	s13 =	simm.s32 $0x9900;
	v3 =	vadd.s32 v1, v3  }
0x5d: {  	[tilespmem:s13], [sflag:$0x2] =	stream.indirect_vreg.gather [hbm4b:s5+s3], $0x80, v4, vm0, $0xb8;
	[tilespmem:$0x18100] =	vst v63  }
0x5e: {  	s14 =	simm.s32 $0xA100  }
0x5f: {  	[tilespmem:s14], [sflag:$0x2] =	stream.indirect_vreg.gather [hbm4b:s6+s3], $0x80, v4, vm0, $0xb8;
	[tilespmem:$0x18100] =	vst v63  }
0x60: {  	_ = 	snop  }
0x61: {  	[tilespmem:s18], [sflag:$0x2] =	stream.indirect_vreg.gather [hbm4b:s2+s3], $0x80, v3, vm0, $0xb8;
	[tilespmem:$0x18100] =	vst v63  }
0x62: {  	s15 =	simm.s32 $0xB100  }
0x63: {  	[tilespmem:s15], [sflag:$0x2] =	stream.indirect_vreg.gather [hbm4b:s5+s3], $0x80, v3, vm0, $0xb8;
	[tilespmem:$0x18100] =	vst v63  }
0x64: {  	_ = 	snop  }
0x65: {  	[tilespmem:s16], [sflag:$0x2] =	stream.indirect_vreg.gather [hbm4b:s6+s3], $0x80, v3, vm0, $0xb8;
	[tilespmem:$0x18100] =	vst v63  }
0x66: {  	v3 =	vld [tilespmem:$0x40];
	_ =	sdelay $0x4  }
0x67: {  	v52 =	vshrl.u32 v3, $0x3  }
0x68: {  	v4 =	vmul.u32 $0x30, v52  }
0x69: {  	v3 =	vand.u32 $0x7, v3  }
0x6a: {  	v3 =	vor.u32 v3, v4  }
0x6b: {  	v4 =	vperm.xlane v3, v0;
	_ =	sdelay $0x1  }
0x6c: {  	v4 =	vadd.s32 v1, v4;
	_ =	sdelay $0x3  }
0x6d: {  	v3 =	vperm.xlane v3, v2  }
0x6e: {  	[tilespmem:s17], [sflag:$0x3] =	stream.indirect_vreg.gather [hbm4b:s2+s3], $0x80, v4, vm0, $0xb8;
	[tilespmem:$0x18100] =	vst v63  }
0x6f: {  	s19 =	simm.s32 $0xC900;
	v3 =	vadd.s32 v1, v3  }
0x70: {  	[tilespmem:s19], [sflag:$0x3] =	stream.indirect_vreg.gather [hbm4b:s5+s3], $0x80, v4, vm0, $0xb8;
	[tilespmem:$0x18100] =	vst v63  }
0x71: {  	s7 =	simm.s32 $0xD100  }
0x72: {  	[tilespmem:s7], [sflag:$0x3] =	stream.indirect_vreg.gather [hbm4b:s6+s3], $0x80, v4, vm0, $0xb8;
	[tilespmem:$0x18100] =	vst v63  }
0x73: {  	s19 =	simm.s32 $0xD900  }
0x74: {  	[tilespmem:s19], [sflag:$0x3] =	stream.indirect_vreg.gather [hbm4b:s2+s3], $0x80, v3, vm0, $0xb8;
	[tilespmem:$0x18100] =	vst v63  }
0x75: {  	s7 =	simm.s32 $0xE100  }
0x76: {  	[tilespmem:s7], [sflag:$0x3] =	stream.indirect_vreg.gather [hbm4b:s5+s3], $0x80, v3, vm0, $0xb8;
	[tilespmem:$0x18100] =	vst v63  }
0x77: {  	s19 =	simm.s32 $0xE900  }
0x78: {  	[tilespmem:s19], [sflag:$0x3] =	stream.indirect_vreg.gather [hbm4b:s6+s3], $0x80, v3, vm0, $0xb8;
	[tilespmem:$0x18100] =	vst v63  }
0x79: {  	v3 =	vld [tilespmem:$0x50];
	_ =	sdelay $0x4  }
0x7a: {  	v53 =	vshrl.u32 v3, $0x3  }
0x7b: {  	v4 =	vmul.u32 $0x30, v53  }
0x7c: {  	v3 =	vand.u32 $0x7, v3  }
0x7d: {  	v3 =	vor.u32 v3, v4  }
0x7e: {  	v4 =	vperm.xlane v3, v0;
	_ =	sdelay $0x1  }
0x7f: {  	v4 =	vadd.s32 v1, v4;
	_ =	sdelay $0x3  }
0x80: {  	s7 =	simm.s32 $0xF100;
	v3 =	vperm.xlane v3, v2  }
0x81: {  	[tilespmem:s7], [sflag:$0x3] =	stream.indirect_vreg.gather [hbm4b:s2+s3], $0x80, v4, vm0, $0xb8;
	[tilespmem:$0x18100] =	vst v63  }
0x82: {  	s19 =	simm.s32 $0xF900;
	v3 =	vadd.s32 v1, v3  }
0x83: {  	[tilespmem:s19], [sflag:$0x3] =	stream.indirect_vreg.gather [hbm4b:s5+s3], $0x80, v4, vm0, $0xb8;
	[tilespmem:$0x18100] =	vst v63  }
0x84: {  	s7 =	simm.s32 $0x10100  }
0x85: {  	[tilespmem:s7], [sflag:$0x3] =	stream.indirect_vreg.gather [hbm4b:s6+s3], $0x80, v4, vm0, $0xb8;
	[tilespmem:$0x18100] =	vst v63  }
0x86: {  	s19 =	simm.s32 $0x10900  }
0x87: {  	[tilespmem:s19], [sflag:$0x3] =	stream.indirect_vreg.gather [hbm4b:s2+s3], $0x80, v3, vm0, $0xb8;
	[tilespmem:$0x18100] =	vst v63  }
0x88: {  	s7 =	simm.s32 $0x11100  }
0x89: {  	[tilespmem:s7], [sflag:$0x3] =	stream.indirect_vreg.gather [hbm4b:s5+s3], $0x80, v3, vm0, $0xb8;
	[tilespmem:$0x18100] =	vst v63  }
0x8a: {  	s19 =	simm.s32 $0x11900  }
0x8b: {  	[tilespmem:s19], [sflag:$0x3] =	stream.indirect_vreg.gather [hbm4b:s6+s3], $0x80, v3, vm0, $0xb8;
	[tilespmem:$0x18100] =	vst v63  }
0x8c: {  	v3 =	vld [tilespmem:$0x60];
	_ =	sdelay $0x4  }
0x8d: {  	v54 =	vshrl.u32 v3, $0x3  }
0x8e: {  	v4 =	vmul.u32 $0x30, v54  }
0x8f: {  	v3 =	vand.u32 $0x7, v3  }
0x90: {  	v3 =	vor.u32 v3, v4  }
0x91: {  	v4 =	vperm.xlane v3, v0;
	_ =	sdelay $0x1  }
0x92: {  	v4 =	vadd.s32 v1, v4;
	_ =	sdelay $0x3  }
0x93: {  	v3 =	vperm.xlane v3, v2  }
0x94: {  	[tilespmem:s4], [sflag:$0x4] =	stream.indirect_vreg.gather [hbm4b:s2+s3], $0x80, v4, vm0, $0xb8;
	[tilespmem:$0x18100] =	vst v63  }
0x95: {  	s7 =	simm.s32 $0x12900;
	v3 =	vadd.s32 v1, v3  }
0x96: {  	[tilespmem:s7], [sflag:$0x4] =	stream.indirect_vreg.gather [hbm4b:s5+s3], $0x80, v4, vm0, $0xb8;
	[tilespmem:$0x18100] =	vst v63  }
0x97: {  	s19 =	simm.s32 $0x13100  }
0x98: {  	[tilespmem:s19], [sflag:$0x4] =	stream.indirect_vreg.gather [hbm4b:s6+s3], $0x80, v4, vm0, $0xb8;
	[tilespmem:$0x18100] =	vst v63  }
0x99: {  	s7 =	simm.s32 $0x13900  }
0x9a: {  	[tilespmem:s7], [sflag:$0x4] =	stream.indirect_vreg.gather [hbm4b:s2+s3], $0x80, v3, vm0, $0xb8;
	[tilespmem:$0x18100] =	vst v63  }
0x9b: {  	s19 =	simm.s32 $0x14100  }
0x9c: {  	[tilespmem:s19], [sflag:$0x4] =	stream.indirect_vreg.gather [hbm4b:s5+s3], $0x80, v3, vm0, $0xb8;
	[tilespmem:$0x18100] =	vst v63  }
0x9d: {  	s7 =	simm.s32 $0x14900  }
0x9e: {  	[tilespmem:s7], [sflag:$0x4] =	stream.indirect_vreg.gather [hbm4b:s6+s3], $0x80, v3, vm0, $0xb8;
	[tilespmem:$0x18100] =	vst v63  }
0x9f: {  	v3 =	vld [tilespmem:$0x70];
	_ =	sdelay $0x4  }
0xa0: {  	v55 =	vshrl.u32 v3, $0x3  }
0xa1: {  	v4 =	vmul.u32 $0x30, v55  }
0xa2: {  	v3 =	vand.u32 $0x7, v3  }
0xa3: {  	v3 =	vor.u32 v3, v4  }
0xa4: {  	v4 =	vperm.xlane v3, v0;
	_ =	sdelay $0x1  }
0xa5: {  	v4 =	vadd.s32 v1, v4;
	_ =	sdelay $0x3  }
0xa6: {  	s19 =	simm.s32 $0x15100;
	v3 =	vperm.xlane v3, v2  }
0xa7: {  	[tilespmem:s19], [sflag:$0x4] =	stream.indirect_vreg.gather [hbm4b:s2+s3], $0x80, v4, vm0, $0xb8;
	[tilespmem:$0x18100] =	vst v63  }
0xa8: {  	s7 =	simm.s32 $0x15900;
	v3 =	vadd.s32 v1, v3  }
0xa9: {  	[tilespmem:s7], [sflag:$0x4] =	stream.indirect_vreg.gather [hbm4b:s5+s3], $0x80, v4, vm0, $0xb8;
	[tilespmem:$0x18100] =	vst v63  }
0xaa: {  	s19 =	simm.s32 $0x16100  }
0xab: {  	[tilespmem:s19], [sflag:$0x4] =	stream.indirect_vreg.gather [hbm4b:s6+s3], $0x80, v4, vm0, $0xb8;
	[tilespmem:$0x18100] =	vst v63  }
0xac: {  	s7 =	simm.s32 $0x16900  }
0xad: {  	[tilespmem:s7], [sflag:$0x4] =	stream.indirect_vreg.gather [hbm4b:s2+s3], $0x80, v3, vm0, $0xb8;
	[tilespmem:$0x18100] =	vst v63  }
0xae: {  	s19 =	simm.s32 $0x17100  }
0xaf: {  	[tilespmem:s19], [sflag:$0x4] =	stream.indirect_vreg.gather [hbm4b:s5+s3], $0x80, v3, vm0, $0xb8;
	[tilespmem:$0x18100] =	vst v63  }
0xb0: {  	s0 =	simm.s32 $0x1;
	s7 =	simm.s32 $0x17900  }
0xb1: {  	[tilespmem:s7], [sflag:$0x4] =	stream.indirect_vreg.gather [hbm4b:s6+s3], $0x80, v3, vm0, $0xb8;
	[tilespmem:$0x18100] =	vst v63  }
0xb2: {  	_ =	swait.ge [sflag:s0], $0x6000  }
0xb3: {  	[sflag:s0] =	ssyncset.done $0x0  }
0xb4: {  	s7 =	simm.s32 $0x100;
	s19 =	rddreg [dreg:$0xc];
	[sflag:s0] =	ssyncadd.s32 $0xFFFFA000  }
0xb5: {  	[hbm4b:s19+s3] =	stream.linear.scatter [tilespmem:s7], [sflag:$0x5], $0x6000, $0x38;
	[tilespmem:$0x18100] =	vst v63  }
0xb6: {  	_ =	swait.ge [sflag:s1], $0x6000  }
0xb7: {  	[sflag:s1] =	ssyncset.done $0x0  }
0xb8: {  	[sflag:s1] =	ssyncadd.s32 $0xFFFFA000  }
0xb9: {  	v3 =	vld [tilespmem:$0x80];
	_ =	sdelay $0x4  }
0xba: {  	v56 =	vshrl.u32 v3, $0x3  }
0xbb: {  	v4 =	vmul.u32 $0x30, v56  }
0xbc: {  	v3 =	vand.u32 $0x7, v3  }
0xbd: {  	v3 =	vor.u32 v3, v4  }
0xbe: {  	v4 =	vperm.xlane v3, v0;
	_ =	sdelay $0x1  }
0xbf: {  	v4 =	vadd.s32 v1, v4;
	_ =	sdelay $0x3  }
0xc0: {  	v3 =	vperm.xlane v3, v2  }
0xc1: {  	[tilespmem:s7], [sflag:$0x1] =	stream.indirect_vreg.gather [hbm4b:s2+s3], $0x80, v4, vm0, $0xb8;
	[tilespmem:$0x18100] =	vst v63  }
0xc2: {  	v3 =	vadd.s32 v1, v3  }
0xc3: {  	[tilespmem:s20], [sflag:$0x1] =	stream.indirect_vreg.gather [hbm4b:s5+s3], $0x80, v4, vm0, $0xb8;
	[tilespmem:$0x18100] =	vst v63  }
0xc4: {  	_ = 	snop  }
0xc5: {  	[tilespmem:s23], [sflag:$0x1] =	stream.indirect_vreg.gather [hbm4b:s6+s3], $0x80, v4, vm0, $0xb8;
	[tilespmem:$0x18100] =	vst v63  }
0xc6: {  	_ = 	snop  }
0xc7: {  	[tilespmem:s24], [sflag:$0x1] =	stream.indirect_vreg.gather [hbm4b:s2+s3], $0x80, v3, vm0, $0xb8;
	[tilespmem:$0x18100] =	vst v63  }
0xc8: {  	_ = 	snop  }
0xc9: {  	[tilespmem:s25], [sflag:$0x1] =	stream.indirect_vreg.gather [hbm4b:s5+s3], $0x80, v3, vm0, $0xb8;
	[tilespmem:$0x18100] =	vst v63  }
0xca: {  	_ = 	snop  }
0xcb: {  	[tilespmem:s26], [sflag:$0x1] =	stream.indirect_vreg.gather [hbm4b:s6+s3], $0x80, v3, vm0, $0xb8;
	[tilespmem:$0x18100] =	vst v63  }
0xcc: {  	v3 =	vld [tilespmem:$0x90];
	_ =	sdelay $0x4  }
0xcd: {  	v57 =	vshrl.u32 v3, $0x3  }
0xce: {  	v4 =	vmul.u32 $0x30, v57  }
0xcf: {  	v3 =	vand.u32 $0x7, v3  }
0xd0: {  	v3 =	vor.u32 v3, v4  }
0xd1: {  	v4 =	vperm.xlane v3, v0;
	_ =	sdelay $0x1  }
0xd2: {  	v4 =	vadd.s32 v1, v4;
	_ =	sdelay $0x3  }
0xd3: {  	v3 =	vperm.xlane v3, v2  }
0xd4: {  	[tilespmem:s28], [sflag:$0x1] =	stream.indirect_vreg.gather [hbm4b:s2+s3], $0x80, v4, vm0, $0xb8;
	[tilespmem:$0x18100] =	vst v63  }
0xd5: {  	v3 =	vadd.s32 v1, v3  }
0xd6: {  	[tilespmem:s29], [sflag:$0x1] =	stream.indirect_vreg.gather [hbm4b:s5+s3], $0x80, v4, vm0, $0xb8;
	[tilespmem:$0x18100] =	vst v63  }
0xd7: {  	_ = 	snop  }
0xd8: {  	[tilespmem:s30], [sflag:$0x1] =	stream.indirect_vreg.gather [hbm4b:s6+s3], $0x80, v4, vm0, $0xb8;
	[tilespmem:$0x18100] =	vst v63  }
0xd9: {  	_ = 	snop  }
0xda: {  	[tilespmem:s31], [sflag:$0x1] =	stream.indirect_vreg.gather [hbm4b:s2+s3], $0x80, v3, vm0, $0xb8;
	[tilespmem:$0x18100] =	vst v63  }
0xdb: {  	_ = 	snop  }
0xdc: {  	[tilespmem:s8], [sflag:$0x1] =	stream.indirect_vreg.gather [hbm4b:s5+s3], $0x80, v3, vm0, $0xb8;
	[tilespmem:$0x18100] =	vst v63  }
0xdd: {  	s8 =	simm.s32 $0x2  }
0xde: {  	[tilespmem:s9], [sflag:$0x1] =	stream.indirect_vreg.gather [hbm4b:s6+s3], $0x80, v3, vm0, $0xb8;
	[tilespmem:$0x18100] =	vst v63  }
0xdf: {  	_ =	swait.ge [sflag:s8], $0x6000  }
0xe0: {  	[sflag:s8] =	ssyncset.done $0x0  }
0xe1: {  	s7 =	simm.s32 $0x6100;
	s9 =	rddreg [dreg:$0x5];
	[sflag:s8] =	ssyncadd.s32 $0xFFFFA000  }
0xe2: {  	[hbm4b:s9+s3] =	stream.linear.scatter [tilespmem:s7], [sflag:$0x6], $0x6000, $0x38;
	[tilespmem:$0x18100] =	vst v63  }
0xe3: {  	s9 =	simm.s32 $0x6  }
0xe4: {  	_ =	swait.ge [sflag:s9], $0x6000  }
0xe5: {  	[sflag:s9] =	ssyncset.done $0x0  }
0xe6: {  	[sflag:s9] =	ssyncadd.s32 $0xFFFFA000  }
0xe7: {  	v3 =	vld [tilespmem:$0xA0];
	_ =	sdelay $0x4  }
0xe8: {  	v58 =	vshrl.u32 v3, $0x3  }
0xe9: {  	v4 =	vmul.u32 $0x30, v58  }
0xea: {  	v3 =	vand.u32 $0x7, v3  }
0xeb: {  	v3 =	vor.u32 v3, v4  }
0xec: {  	v4 =	vperm.xlane v3, v0;
	_ =	sdelay $0x1  }
0xed: {  	v4 =	vadd.s32 v1, v4;
	_ =	sdelay $0x3  }
0xee: {  	v3 =	vperm.xlane v3, v2  }
0xef: {  	[tilespmem:s7], [sflag:$0x2] =	stream.indirect_vreg.gather [hbm4b:s2+s3], $0x80, v4, vm0, $0xb8;
	[tilespmem:$0x18100] =	vst v63  }
0xf0: {  	v3 =	vadd.s32 v1, v3  }
0xf1: {  	[tilespmem:s11], [sflag:$0x2] =	stream.indirect_vreg.gather [hbm4b:s5+s3], $0x80, v4, vm0, $0xb8;
	[tilespmem:$0x18100] =	vst v63  }
0xf2: {  	s19 =	simm.s32 $0x7100  }
0xf3: {  	[tilespmem:s19], [sflag:$0x2] =	stream.indirect_vreg.gather [hbm4b:s6+s3], $0x80, v4, vm0, $0xb8;
	[tilespmem:$0x18100] =	vst v63  }
0xf4: {  	s19 =	simm.s32 $0x7900  }
0xf5: {  	[tilespmem:s19], [sflag:$0x2] =	stream.indirect_vreg.gather [hbm4b:s2+s3], $0x80, v3, vm0, $0xb8;
	[tilespmem:$0x18100] =	vst v63  }
0xf6: {  	_ = 	snop  }
0xf7: {  	[tilespmem:s22], [sflag:$0x2] =	stream.indirect_vreg.gather [hbm4b:s5+s3], $0x80, v3, vm0, $0xb8;
	[tilespmem:$0x18100] =	vst v63  }
0xf8: {  	_ = 	snop  }
0xf9: {  	[tilespmem:s12], [sflag:$0x2] =	stream.indirect_vreg.gather [hbm4b:s6+s3], $0x80, v3, vm0, $0xb8;
	[tilespmem:$0x18100] =	vst v63  }
0xfa: {  	v3 =	vld [tilespmem:$0xB0];
	_ =	sdelay $0x4  }
0xfb: {  	v59 =	vshrl.u32 v3, $0x3  }
0xfc: {  	v4 =	vmul.u32 $0x30, v59  }
0xfd: {  	v3 =	vand.u32 $0x7, v3  }
0xfe: {  	v3 =	vor.u32 v3, v4  }
0xff: {  	v4 =	vperm.xlane v3, v0;
	_ =	sdelay $0x1  }
0x100: {  	v4 =	vadd.s32 v1, v4;
	_ =	sdelay $0x3  }
0x101: {  	v3 =	vperm.xlane v3, v2  }
0x102: {  	[tilespmem:s21], [sflag:$0x2] =	stream.indirect_vreg.gather [hbm4b:s2+s3], $0x80, v4, vm0, $0xb8;
	[tilespmem:$0x18100] =	vst v63  }
0x103: {  	v3 =	vadd.s32 v1, v3  }
0x104: {  	[tilespmem:s13], [sflag:$0x2] =	stream.indirect_vreg.gather [hbm4b:s5+s3], $0x80, v4, vm0, $0xb8;
	[tilespmem:$0x18100] =	vst v63  }
0x105: {  	_ = 	snop  }
0x106: {  	[tilespmem:s14], [sflag:$0x2] =	stream.indirect_vreg.gather [hbm4b:s6+s3], $0x80, v4, vm0, $0xb8;
	[tilespmem:$0x18100] =	vst v63  }
0x107: {  	_ = 	snop  }
0x108: {  	[tilespmem:s18], [sflag:$0x2] =	stream.indirect_vreg.gather [hbm4b:s2+s3], $0x80, v3, vm0, $0xb8;
	[tilespmem:$0x18100] =	vst v63  }
0x109: {  	_ = 	snop  }
0x10a: {  	[tilespmem:s15], [sflag:$0x2] =	stream.indirect_vreg.gather [hbm4b:s5+s3], $0x80, v3, vm0, $0xb8;
	[tilespmem:$0x18100] =	vst v63  }
0x10b: {  	s11 =	simm.s32 $0x3  }
0x10c: {  	[tilespmem:s16], [sflag:$0x2] =	stream.indirect_vreg.gather [hbm4b:s6+s3], $0x80, v3, vm0, $0xb8;
	[tilespmem:$0x18100] =	vst v63  }
0x10d: {  	_ =	swait.ge [sflag:s11], $0x6000  }
0x10e: {  	[sflag:s11] =	ssyncset.done $0x0  }
0x10f: {  	s12 =	simm.s32 $0x7;
	s15 =	rddreg [dreg:$0x6];
	[sflag:s11] =	ssyncadd.s32 $0xFFFFA000  }
0x110: {  	[hbm4b:s15+s3] =	stream.linear.scatter [tilespmem:s17], [sflag:$0x7], $0x6000, $0x38;
	[tilespmem:$0x18100] =	vst v63  }
0x111: {  	_ =	swait.ge [sflag:s12], $0x6000  }
0x112: {  	[sflag:s12] =	ssyncset.done $0x0  }
0x113: {  	[sflag:s12] =	ssyncadd.s32 $0xFFFFA000  }
0x114: {  	v3 =	vld [tilespmem:$0xC0];
	_ =	sdelay $0x4  }
0x115: {  	v60 =	vshrl.u32 v3, $0x3  }
0x116: {  	v4 =	vmul.u32 $0x30, v60  }
0x117: {  	v3 =	vand.u32 $0x7, v3  }
0x118: {  	v3 =	vor.u32 v3, v4  }
0x119: {  	v4 =	vperm.xlane v3, v0;
	_ =	sdelay $0x1  }
0x11a: {  	v4 =	vadd.s32 v1, v4;
	_ =	sdelay $0x3  }
0x11b: {  	v3 =	vperm.xlane v3, v2  }
0x11c: {  	[tilespmem:s17], [sflag:$0x3] =	stream.indirect_vreg.gather [hbm4b:s2+s3], $0x80, v4, vm0, $0xb8;
	[tilespmem:$0x18100] =	vst v63  }
0x11d: {  	s19 =	simm.s32 $0xC900;
	v3 =	vadd.s32 v1, v3  }
0x11e: {  	[tilespmem:s19], [sflag:$0x3] =	stream.indirect_vreg.gather [hbm4b:s5+s3], $0x80, v4, vm0, $0xb8;
	[tilespmem:$0x18100] =	vst v63  }
0x11f: {  	s14 =	simm.s32 $0xD100  }
0x120: {  	[tilespmem:s14], [sflag:$0x3] =	stream.indirect_vreg.gather [hbm4b:s6+s3], $0x80, v4, vm0, $0xb8;
	[tilespmem:$0x18100] =	vst v63  }
0x121: {  	s15 =	simm.s32 $0xD900  }
0x122: {  	[tilespmem:s15], [sflag:$0x3] =	stream.indirect_vreg.gather [hbm4b:s2+s3], $0x80, v3, vm0, $0xb8;
	[tilespmem:$0x18100] =	vst v63  }
0x123: {  	s19 =	simm.s32 $0xE100  }
0x124: {  	[tilespmem:s19], [sflag:$0x3] =	stream.indirect_vreg.gather [hbm4b:s5+s3], $0x80, v3, vm0, $0xb8;
	[tilespmem:$0x18100] =	vst v63  }
0x125: {  	s14 =	simm.s32 $0xE900  }
0x126: {  	[tilespmem:s14], [sflag:$0x3] =	stream.indirect_vreg.gather [hbm4b:s6+s3], $0x80, v3, vm0, $0xb8;
	[tilespmem:$0x18100] =	vst v63  }
0x127: {  	v3 =	vld [tilespmem:$0xD0];
	_ =	sdelay $0x4  }
0x128: {  	v61 =	vshrl.u32 v3, $0x3  }
0x129: {  	v4 =	vmul.u32 $0x30, v61  }
0x12a: {  	v3 =	vand.u32 $0x7, v3  }
0x12b: {  	v3 =	vor.u32 v3, v4  }
0x12c: {  	v4 =	vperm.xlane v3, v0;
	_ =	sdelay $0x1  }
0x12d: {  	v4 =	vadd.s32 v1, v4;
	_ =	sdelay $0x3  }
0x12e: {  	s15 =	simm.s32 $0xF100;
	v3 =	vperm.xlane v3, v2  }
0x12f: {  	[tilespmem:s15], [sflag:$0x3] =	stream.indirect_vreg.gather [hbm4b:s2+s3], $0x80, v4, vm0, $0xb8;
	[tilespmem:$0x18100] =	vst v63  }
0x130: {  	s19 =	simm.s32 $0xF900;
	v3 =	vadd.s32 v1, v3  }
0x131: {  	[tilespmem:s19], [sflag:$0x3] =	stream.indirect_vreg.gather [hbm4b:s5+s3], $0x80, v4, vm0, $0xb8;
	[tilespmem:$0x18100] =	vst v63  }
0x132: {  	s14 =	simm.s32 $0x10100  }
0x133: {  	[tilespmem:s14], [sflag:$0x3] =	stream.indirect_vreg.gather [hbm4b:s6+s3], $0x80, v4, vm0, $0xb8;
	[tilespmem:$0x18100] =	vst v63  }
0x134: {  	s15 =	simm.s32 $0x10900  }
0x135: {  	[tilespmem:s15], [sflag:$0x3] =	stream.indirect_vreg.gather [hbm4b:s2+s3], $0x80, v3, vm0, $0xb8;
	[tilespmem:$0x18100] =	vst v63  }
0x136: {  	s19 =	simm.s32 $0x11100  }
0x137: {  	[tilespmem:s19], [sflag:$0x3] =	stream.indirect_vreg.gather [hbm4b:s5+s3], $0x80, v3, vm0, $0xb8;
	[tilespmem:$0x18100] =	vst v63  }
0x138: {  	s13 =	simm.s32 $0x4;
	s14 =	simm.s32 $0x11900  }
0x139: {  	[tilespmem:s14], [sflag:$0x3] =	stream.indirect_vreg.gather [hbm4b:s6+s3], $0x80, v3, vm0, $0xb8;
	[tilespmem:$0x18100] =	vst v63  }
0x13a: {  	_ =	swait.ge [sflag:s13], $0x6000  }
0x13b: {  	[sflag:s13] =	ssyncset.done $0x0  }
0x13c: {  	s14 =	simm.s32 $0x8;
	s15 =	rddreg [dreg:$0x7];
	[sflag:s13] =	ssyncadd.s32 $0xFFFFA000  }
0x13d: {  	[hbm4b:s15+s3] =	stream.linear.scatter [tilespmem:s4], [sflag:$0x8], $0x6000, $0x38;
	[tilespmem:$0x18100] =	vst v63  }
0x13e: {  	_ =	swait.ge [sflag:s14], $0x6000  }
0x13f: {  	[sflag:s14] =	ssyncset.done $0x0  }
0x140: {  	[sflag:s14] =	ssyncadd.s32 $0xFFFFA000  }
0x141: {  	v3 =	vld [tilespmem:$0xE0];
	_ =	sdelay $0x4  }
0x142: {  	v62 =	vshrl.u32 v3, $0x3  }
0x143: {  	v4 =	vmul.u32 $0x30, v62  }
0x144: {  	v3 =	vand.u32 $0x7, v3  }
0x145: {  	v3 =	vor.u32 v3, v4  }
0x146: {  	v4 =	vperm.xlane v3, v0;
	_ =	sdelay $0x1  }
0x147: {  	v4 =	vadd.s32 v1, v4;
	_ =	sdelay $0x3  }
0x148: {  	v3 =	vperm.xlane v3, v2  }
0x149: {  	[tilespmem:s4], [sflag:$0x4] =	stream.indirect_vreg.gather [hbm4b:s2+s3], $0x80, v4, vm0, $0xb8;
	[tilespmem:$0x18100] =	vst v63  }
0x14a: {  	s19 =	simm.s32 $0x12900;
	v3 =	vadd.s32 v1, v3  }
0x14b: {  	[tilespmem:s19], [sflag:$0x4] =	stream.indirect_vreg.gather [hbm4b:s5+s3], $0x80, v4, vm0, $0xb8;
	[tilespmem:$0x18100] =	vst v63  }
0x14c: {  	s19 =	simm.s32 $0x13100  }
0x14d: {  	[tilespmem:s19], [sflag:$0x4] =	stream.indirect_vreg.gather [hbm4b:s6+s3], $0x80, v4, vm0, $0xb8;
	[tilespmem:$0x18100] =	vst v63  }
0x14e: {  	s19 =	simm.s32 $0x13900  }
0x14f: {  	[tilespmem:s19], [sflag:$0x4] =	stream.indirect_vreg.gather [hbm4b:s2+s3], $0x80, v3, vm0, $0xb8;
	[tilespmem:$0x18100] =	vst v63  }
0x150: {  	s19 =	simm.s32 $0x14100  }
0x151: {  	[tilespmem:s19], [sflag:$0x4] =	stream.indirect_vreg.gather [hbm4b:s5+s3], $0x80, v3, vm0, $0xb8;
	[tilespmem:$0x18100] =	vst v63  }
0x152: {  	s19 =	simm.s32 $0x14900  }
0x153: {  	[tilespmem:s19], [sflag:$0x4] =	stream.indirect_vreg.gather [hbm4b:s6+s3], $0x80, v3, vm0, $0xb8;
	[tilespmem:$0x18100] =	vst v63  }
0x154: {  	v3 =	vld [tilespmem:$0xF0];
	_ =	sdelay $0x4  }
0x155: {  	v63 =	vshrl.u32 v3, $0x3  }
0x156: {  	v4 =	vmul.u32 $0x30, v63  }
0x157: {  	v3 =	vand.u32 $0x7, v3  }
0x158: {  	v3 =	vor.u32 v3, v4  }
0x159: {  	v4 =	vperm.xlane v3, v0;
	_ =	sdelay $0x1  }
0x15a: {  	v4 =	vadd.s32 v1, v4;
	_ =	sdelay $0x3  }
0x15b: {  	s19 =	simm.s32 $0x15100;
	v3 =	vperm.xlane v3, v2  }
0x15c: {  	[tilespmem:s19], [sflag:$0x4] =	stream.indirect_vreg.gather [hbm4b:s2+s3], $0x80, v4, vm0, $0xb8;
	[tilespmem:$0x18100] =	vst v63  }
0x15d: {  	v3 =	vadd.s32 v1, v3;
	s19 =	simm.s32 $0x15900  }
0x15e: {  	[tilespmem:s19], [sflag:$0x4] =	stream.indirect_vreg.gather [hbm4b:s5+s3], $0x80, v4, vm0, $0xb8;
	[tilespmem:$0x18100] =	vst v63  }
0x15f: {  	s19 =	simm.s32 $0x16100  }
0x160: {  	[tilespmem:s19], [sflag:$0x4] =	stream.indirect_vreg.gather [hbm4b:s6+s3], $0x80, v4, vm0, $0xb8;
	[tilespmem:$0x18100] =	vst v63  }
0x161: {  	s19 =	simm.s32 $0x16900  }
0x162: {  	[tilespmem:s19], [sflag:$0x4] =	stream.indirect_vreg.gather [hbm4b:s2+s3], $0x80, v3, vm0, $0xb8;
	[tilespmem:$0x18100] =	vst v63  }
0x163: {  	s19 =	simm.s32 $0x17100  }
0x164: {  	[tilespmem:s19], [sflag:$0x4] =	stream.indirect_vreg.gather [hbm4b:s5+s3], $0x80, v3, vm0, $0xb8;
	[tilespmem:$0x18100] =	vst v63  }
0x165: {  	s19 =	simm.s32 $0x17900  }
0x166: {  	[tilespmem:s19], [sflag:$0x4] =	stream.indirect_vreg.gather [hbm4b:s6+s3], $0x80, v3, vm0, $0xb8;
	[tilespmem:$0x18100] =	vst v63  }
0x167: {  	_ =	swait.ge [sflag:s0], $0x6000  }
0x168: {  	[sflag:s0] =	ssyncset.done $0x0  }
0x169: {  	s15 =	simm.s32 $0x100;
	s19 =	rddreg [dreg:$0x8];
	[sflag:s0] =	ssyncadd.s32 $0xFFFFA000  }
0x16a: {  	[hbm4b:s19+s3] =	stream.linear.scatter [tilespmem:s15], [sflag:$0x5], $0x6000, $0x38;
	[tilespmem:$0x18100] =	vst v63  }
0x16b: {  	_ =	swait.ge [sflag:s8], $0x6000  }
0x16c: {  	[sflag:s8] =	ssyncset.done $0x0  }
0x16d: {  	s7 =	simm.s32 $0x6100;
	s0 =	rddreg [dreg:$0x9];
	[sflag:s8] =	ssyncadd.s32 $0xFFFFA000  }
0x16e: {  	[hbm4b:s0+s3] =	stream.linear.scatter [tilespmem:s7], [sflag:$0x6], $0x6000, $0x38;
	[tilespmem:$0x18100] =	vst v63  }
0x16f: {  	_ =	swait.ge [sflag:s11], $0x6000  }
0x170: {  	[sflag:s11] =	ssyncset.done $0x0  }
0x171: {  	s8 =	rddreg [dreg:$0xa];
	[sflag:s11] =	ssyncadd.s32 $0xFFFFA000  }
0x172: {  	[hbm4b:s8+s3] =	stream.linear.scatter [tilespmem:s17], [sflag:$0x7], $0x6000, $0x38;
	[tilespmem:$0x18100] =	vst v63  }
0x173: {  	_ =	swait.ge [sflag:s13], $0x6000  }
0x174: {  	[sflag:s13] =	ssyncset.done $0x0  }
0x175: {  	s15 =	rddreg [dreg:$0xb];
	[sflag:s13] =	ssyncadd.s32 $0xFFFFA000  }
0x176: {  	[hbm4b:s15+s3] =	stream.linear.scatter [tilespmem:s4], [sflag:$0x8], $0x6000, $0x38;
	[tilespmem:$0x18100] =	vst v63  }
0x177: {  	_ =	swait.ge [sflag:s1], $0x6000  }
0x178: {  	[sflag:s1] =	ssyncset.done $0x0  }
0x179: {  	[sflag:s1] =	ssyncadd.s32 $0xFFFFA000  }
0x17a: {  	_ =	swait.ge [sflag:s9], $0x6000  }
0x17b: {  	[sflag:s9] =	ssyncset.done $0x0  }
0x17c: {  	[sflag:s9] =	ssyncadd.s32 $0xFFFFA000  }
0x17d: {  	p0 =	sne.s32 s10, $0x1;
	_ =	swait.ge [sflag:s12], $0x6000  }
.Ltmp0:
0x17e: {  	[sflag:s12] =	ssyncset.done $0x0;
	(pc) =	sbr.rel @p0 .LBB2_1-.Ltmp0, $4  }
0x17f: {  	[sflag:s12] =	ssyncadd.s32 $0xFFFFA000  }
0x180: {  	_ =	swait.ge [sflag:s14], $0x6000  }
0x181: {  	[sflag:s14] =	ssyncset.done $0x0  }
0x182: {  	s10 =	sadd.s32 $0xFFFFFFFF, s10;
	[sflag:s14] =	ssyncadd.s32 $0xFFFFA000  }
0x183: {  	_ =	sfence.sel $0x180000  }
0x184: {  	[bflag:$0x0] =	sbarrier.arrive $0xFFFF  }
0x185: {  	_ =	strace $0x90000047  }
0x186: {  	s0 =	stileid.u32;
	[bflag:$0x2] =	sbarrier.arrive $0xFFFF  }
0x187: {  	p0 =	sne.s32 s0, $0x0;
	s0 =	rddreg [dreg:$0x3]  }
0x188: {  	s0 =	sadd.s32 @!p0 $0x100000, s0  }
0x189: {  	[sflag:s0] =	ssyncadd.tile.s32 @!p0 $0x1;
	_ =	shalt  }
.Lfunc_end2:
_tile_overlayer_lowered:
.L_overlay_start_2:
0x18a: {  	(tag) =	ssettag $0x2  }
0x18b: {  	s0 =	rddreg [dreg:$0x0];
	s2 =	stileid.u32  }
0x18c: {  	s1 =	rddreg [dreg:$0x1];
	p0 =	sne.s32 s2, $0x0  }
0x18d: {  	s3 =	rddreg [dreg:$0x2];
	[bflag:$0x3] =	sbarrier.arrive $0xFFFF;
	s2 =	simm.s32 @!p0 $0x1C09  }
0x18e: {  	[timem:s3], [sflag:s2] =	dma.local @!p0 [hbm:s0], s1  }
0x18f: {  	s0 =	simm.s32 @!p0 $0x9  }
0x190: {  	_ =	swait.ge @!p0 [sflag:s0], s1  }
0x191: {  	s1 =	ssub.s32 @!p0 $0x0, s1;
	[sflag:s0] =	ssyncset.done @!p0 $0x0  }
0x192: {  	[sflag:s0] =	ssyncadd.s32 @!p0 s1  }
0x193: {  	[bflag:$0x3] =	sbarrier.arrive $0xFFFF  }
0x194: {  	_ =	shalt  }

</sc_bundles>
